<compile_context>
chip_gen: v7x
topology: tpu7x:2x2x1
jax: 0.10.2.dev20260603
libtpu: 0.0.44.dev20260713+nightly
codegen_flags: <defaults>
</compile_context>

<pallas_src>
import functools

import jax
import jax.numpy as jnp
from jax import lax
from jax.experimental import pallas as pl
from jax.experimental.pallas import tpu as pltpu
from jax.experimental.pallas import tpu_sc as plsc

N_NODES = 10000
N_EDGES = 320000
D = 128
DW = D // 2
ED = 16

NC = 2
NS = 16
NW = NC * NS
EP = N_EDGES // NW
K = 80
SEG = 1
EPS = EP // SEG
CH = EPS // K
ES = N_EDGES // SEG
RING = 4
SUB_ROWS = 624
TAIL_ROWS = N_NODES - NS * SUB_ROWS

_mesh = functools.partial(
    plsc.VectorSubcoreMesh, core_axis_name="c", subcore_axis_name="s")


def _pre_body(x_ref, w_ref, a_ref, b_ref):
    ab = jnp.dot(x_ref[...], w_ref[...], preferred_element_type=jnp.float32)
    a_ref[...] = ab[:, :D]
    b_ref[...] = ab[:, D:]


def _precompute(x, w_ab):
    return pl.pallas_call(
        _pre_body,
        out_shape=(jax.ShapeDtypeStruct((N_NODES, D), jnp.float32),
                   jax.ShapeDtypeStruct((N_NODES, D), jnp.float32)),
    )(x, w_ab)


def _gather_body(a_hbm, b_hbm, pidx, ga_hbm, gb_hbm,
                 idxb, ra, rb, sem_a, sem_b, sem_wa, sem_wb):
    c = lax.axis_index("c")
    s = lax.axis_index("s")
    wid = s * NC + c

    pltpu.sync_copy(pidx.at[wid], idxb)

    def gather_descs(j, slot):
        da = pltpu.make_async_copy(a_hbm.at[idxb.at[2 * j, pl.ds(0, K)]],
                                   ra.at[slot], sem_a.at[slot])
        db = pltpu.make_async_copy(b_hbm.at[idxb.at[2 * j + 1, pl.ds(0, K)]],
                                   rb.at[slot], sem_b.at[slot])
        return da, db

    def issue(j, slot):
        da, db = gather_descs(j, slot)
        da.start()
        db.start()

    def drain_writes(slot):
        pltpu.make_async_copy(ra.at[slot], ga_hbm.at[pl.ds(0, K)],
                              sem_wa.at[slot]).wait()
        pltpu.make_async_copy(rb.at[slot], gb_hbm.at[pl.ds(0, K)],
                              sem_wb.at[slot]).wait()

    issue(0, 0)
    issue(1, 1)
    issue(2, 2)

    def chunk(j, carry):
        slot = j % RING
        da, db = gather_descs(j, slot)
        da.wait()
        db.wait()
        off = pl.multiple_of(wid * EPS + j * K, 8)
        pltpu.async_copy(ra.at[slot], ga_hbm.at[pl.ds(off, K)],
                         sem_wa.at[slot])
        pltpu.async_copy(rb.at[slot], gb_hbm.at[pl.ds(off, K)],
                         sem_wb.at[slot])

        nxt = (j + 3) % RING

        @pl.when((j + 3 < CH) & (j >= 1))
        def _drain():
            drain_writes(nxt)

        @pl.when(j + 3 < CH)
        def _prefetch():
            issue(j + 3, nxt)

        return carry

    lax.fori_loop(0, CH, chunk, 0, unroll=False)
    for jj in range(CH - RING, CH):
        drain_writes(jj % RING)


def _gather_seg(a, b, pidx):
    return pl.kernel(
        _gather_body,
        out_type=(jax.ShapeDtypeStruct((ES, D), jnp.float32),
                  jax.ShapeDtypeStruct((ES, D), jnp.float32)),
        mesh=_mesh(),
        scratch_types=[
            pltpu.VMEM((2 * CH, 128), jnp.int32),
            pltpu.VMEM((RING, K, D), jnp.float32),
            pltpu.VMEM((RING, K, D), jnp.float32),
            pltpu.SemaphoreType.DMA((RING,)),
            pltpu.SemaphoreType.DMA((RING,)),
            pltpu.SemaphoreType.DMA((RING,)),
            pltpu.SemaphoreType.DMA((RING,)),
        ],
    )(a, b, pidx)


def _edge_mlp_body(ga_ref, gb_ref, ea_ref, w1c_ref, b1_ref, w2_ref, b2_ref,
                   m_ref):
    z = (ga_ref[...] + gb_ref[...]
         + jnp.dot(ea_ref[...], w1c_ref[...], preferred_element_type=jnp.float32)
         + b1_ref[...])
    h = jnp.maximum(z, 0.0).astype(jnp.bfloat16)
    m_ref[...] = (jnp.dot(h, w2_ref[...], preferred_element_type=jnp.float32)
                  + b2_ref[...])


def _edge_mlp(ga, gb, edge_attr, w1c, b1, w2, b2, block_e=8000):
    ne = ga.shape[0]
    grid = ne // block_e
    return pl.pallas_call(
        _edge_mlp_body,
        grid=(grid,),
        in_specs=[
            pl.BlockSpec((block_e, D), lambda i: (i, 0)),
            pl.BlockSpec((block_e, D), lambda i: (i, 0)),
            pl.BlockSpec((block_e, ED), lambda i: (i, 0)),
            pl.BlockSpec((ED, D), lambda i: (0, 0)),
            pl.BlockSpec((1, D), lambda i: (0, 0)),
            pl.BlockSpec((D, D), lambda i: (0, 0)),
            pl.BlockSpec((1, D), lambda i: (0, 0)),
        ],
        out_specs=pl.BlockSpec((block_e, D), lambda i: (i, 0)),
        out_shape=jax.ShapeDtypeStruct((ne, D), jnp.float32),
    )(ga, gb, edge_attr, w1c, b1, w2, b2)


def _scatter_body(m_hbm, idx3d, part_hbm, idx_r, mb, agg, sem_l):
    c = lax.axis_index("c")
    s = lax.axis_index("s")
    wid = s * NC + c

    def zrow(e, carry):
        for v in range(D // 16):
            mb[0, e, pl.ds(v * 16, 16)] = jnp.zeros((16,), jnp.float32)
        return carry

    lax.fori_loop(0, K, zrow, 0, unroll=False)
    for t in range(7):
        zoff = pl.multiple_of(s * SUB_ROWS + t * K, 8)
        pltpu.sync_copy(mb.at[0], agg.at[pl.ds(zoff, K)])
    zoff = pl.multiple_of(s * SUB_ROWS + 7 * K, 8)
    pltpu.sync_copy(mb.at[0, pl.ds(0, 64)], agg.at[pl.ds(zoff, 64)])

    @pl.when(s == NS - 1)
    def _zero_tail():
        pltpu.sync_copy(mb.at[0, pl.ds(0, TAIL_ROWS)],
                        agg.at[pl.ds(NS * SUB_ROWS, TAIL_ROWS)])

    plsc.subcore_barrier()

    pltpu.sync_copy(idx3d.at[wid], idx_r)

    def load(j, slot):
        off = pl.multiple_of(wid * EPS + j * K, 8)
        pltpu.async_copy(m_hbm.at[pl.ds(off, K)], mb.at[slot], sem_l.at[slot])

    load(0, 0)

    def chunk(j, carry):
        slot = j % 2
        pltpu.make_async_copy(m_hbm.at[pl.ds(0, K)], mb.at[slot],
                              sem_l.at[slot]).wait()

        @pl.when(j + 1 < CH)
        def _prefetch():
            load(j + 1, (j + 1) % 2)

        pltpu.sync_copy(mb.at[slot], agg.at[idx_r.at[j]], add=True)
        return carry

    lax.fori_loop(0, CH, chunk, 0, unroll=False)
    plsc.subcore_barrier()

    woff = pl.multiple_of(s * SUB_ROWS, 8)
    pltpu.sync_copy(agg.at[pl.ds(woff, SUB_ROWS)],
                    part_hbm.at[c, pl.ds(woff, SUB_ROWS)])

    @pl.when(s == NS - 1)
    def _write_tail():
        pltpu.sync_copy(agg.at[pl.ds(NS * SUB_ROWS, TAIL_ROWS)],
                        part_hbm.at[c, pl.ds(NS * SUB_ROWS, TAIL_ROWS)])


def _scatter_seg(m, idx3d):
    return pl.kernel(
        _scatter_body,
        out_type=jax.ShapeDtypeStruct((NC, N_NODES, D), jnp.float32),
        mesh=_mesh(),
        scratch_types=[
            pltpu.VMEM((CH, K), jnp.int32),
            pltpu.VMEM((2, K, D), jnp.float32),
            pltpu.VMEM_SHARED((N_NODES, D), jnp.float32),
            pltpu.SemaphoreType.DMA((2,)),
        ],
    )(m, idx3d)


def _node_mlp_body(x_ref, *rest):
    ps, (wnx_ref, wna_ref, bn1_ref, wn2_ref, bn2_ref, o_ref) = (
        rest[:SEG], rest[SEG:])
    agg = ps[0][...].sum(axis=0)
    for p in ps[1:]:
        agg = agg + p[...].sum(axis=0)
    t = (jnp.dot(x_ref[...], wnx_ref[...], preferred_element_type=jnp.float32)
         + jnp.dot(agg, wna_ref[...], preferred_element_type=jnp.float32)
         + bn1_ref[...])
    h = jnp.maximum(t, 0.0)
    o_ref[...] = (jnp.dot(h, wn2_ref[...], preferred_element_type=jnp.float32)
                  + bn2_ref[...])


def _node_mlp(x, parts, wnx, wna, bn1, wn2, bn2, block_n=2000):
    grid = N_NODES // block_n
    pspec = pl.BlockSpec((NC, block_n, D), lambda i: (0, i, 0))
    wspec = pl.BlockSpec((D, D), lambda i: (0, 0))
    bspec = pl.BlockSpec((1, D), lambda i: (0, 0))
    return pl.pallas_call(
        _node_mlp_body,
        grid=(grid,),
        in_specs=[pl.BlockSpec((block_n, D), lambda i: (i, 0))]
        + [pspec] * SEG + [wspec, wspec, bspec, wspec, bspec],
        out_specs=pl.BlockSpec((block_n, D), lambda i: (i, 0)),
        out_shape=jax.ShapeDtypeStruct((N_NODES, D), jnp.float32),
    )(x, *parts, wnx, wna, bn1, wn2, bn2)


def kernel(x, edge_index, edge_attr, W_e1, b_e1, W_e2, b_e2,
           W_n1, b_n1, W_n2, b_n2):
    row = edge_index[0].astype(jnp.int32)
    col = edge_index[1].astype(jnp.int32)

    zpad = jnp.zeros((NW, SEG, CH, 128 - K), jnp.int32)
    r4 = row.reshape(NW, SEG, CH, K)
    c4 = col.reshape(NW, SEG, CH, K)
    rrows = jnp.concatenate([r4, zpad], axis=3)
    crows = jnp.concatenate([c4, zpad], axis=3)
    packed = jnp.stack([rrows, crows], axis=3)
    packed = packed.transpose(1, 0, 2, 3, 4).reshape(SEG, NW, 2 * CH, 128)
    ridx_seg = r4.transpose(1, 0, 2, 3)

    ea_seg = edge_attr.reshape(NW, SEG, EPS, ED).transpose(1, 0, 2, 3)

    w_ab = jnp.concatenate([W_e1[:D], W_e1[D:2 * D]], axis=1)
    a, b = _precompute(x, w_ab)

    w1c = W_e1[2 * D:]
    b1r = b_e1.reshape(1, D)
    w2b = W_e2.astype(jnp.bfloat16)
    b2r = b_e2.reshape(1, D)

    gs = [_gather_seg(a, b, packed[s]) for s in range(SEG)]
    ms = [_edge_mlp(ga, gb, ea_seg[s].reshape(ES, ED), w1c, b1r, w2b, b2r)
          for s, (ga, gb) in enumerate(gs)]
    parts = [_scatter_seg(m, ridx_seg[s]) for s, m in enumerate(ms)]

    out = _node_mlp(x, parts, W_n1[:D], W_n1[D:], b_n1.reshape(1, D),
                    W_n2, b_n2.reshape(1, D))
    return out

# --- scband reference (transcript-rebuilt; emitter-appended) ---
"""Pipeline reference for scband-graph-matching-layer-56573309223899 (READ-ONLY COPY).

The authoritative reference and input builder live on the scoring server;
editing this copy changes nothing except your own understanding.
"""

import jax, jax.numpy as jnp
import numpy as np

HIDDEN_DIM = 128
EDGE_DIM = 16
N_NODES = 10000
N_EDGES = 320000


def setup_inputs(seed: int = 0) -> dict:
    key = jax.random.key(seed)
    ks = jax.random.split(key, 12)
    x = jax.random.normal(ks[0], (N_NODES, HIDDEN_DIM), dtype=jnp.float32)
    edge_index = jax.random.randint(ks[1], (2, N_EDGES), 0, N_NODES, dtype=jnp.int64)
    edge_attr = jax.random.normal(ks[2], (N_EDGES, EDGE_DIM), dtype=jnp.float32)
    # edge_mlp: Linear(2*hidden+edge_dim -> hidden), ReLU, Linear(hidden -> hidden)
    in_e = 2 * HIDDEN_DIM + EDGE_DIM
    s_e1 = 1.0 / np.sqrt(in_e)
    W_e1 = jax.random.uniform(ks[3], (in_e, HIDDEN_DIM), minval=-s_e1, maxval=s_e1, dtype=jnp.float32)
    b_e1 = jax.random.uniform(ks[4], (HIDDEN_DIM,), minval=-s_e1, maxval=s_e1, dtype=jnp.float32)
    s_e2 = 1.0 / np.sqrt(HIDDEN_DIM)
    W_e2 = jax.random.uniform(ks[5], (HIDDEN_DIM, HIDDEN_DIM), minval=-s_e2, maxval=s_e2, dtype=jnp.float32)
    b_e2 = jax.random.uniform(ks[6], (HIDDEN_DIM,), minval=-s_e2, maxval=s_e2, dtype=jnp.float32)
    # node_mlp: Linear(2*hidden -> hidden), ReLU, Linear(hidden -> hidden)
    in_n = 2 * HIDDEN_DIM
    s_n1 = 1.0 / np.sqrt(in_n)
    W_n1 = jax.random.uniform(ks[7], (in_n, HIDDEN_DIM), minval=-s_n1, maxval=s_n1, dtype=jnp.float32)
    b_n1 = jax.random.uniform(ks[8], (HIDDEN_DIM,), minval=-s_n1, maxval=s_n1, dtype=jnp.float32)
    s_n2 = 1.0 / np.sqrt(HIDDEN_DIM)
    W_n2 = jax.random.uniform(ks[9], (HIDDEN_DIM, HIDDEN_DIM), minval=-s_n2, maxval=s_n2, dtype=jnp.float32)
    b_n2 = jax.random.uniform(ks[10], (HIDDEN_DIM,), minval=-s_n2, maxval=s_n2, dtype=jnp.float32)
    return {"x": x, "edge_index": edge_index, "edge_attr": edge_attr,
            "W_e1": W_e1, "b_e1": b_e1, "W_e2": W_e2, "b_e2": b_e2,
            "W_n1": W_n1, "b_n1": b_n1, "W_n2": W_n2, "b_n2": b_n2}


def reference(x, edge_index, edge_attr, W_e1, b_e1, W_e2, b_e2, W_n1, b_n1, W_n2, b_n2):
    row = edge_index[0]
    col = edge_index[1]
    edge_features = jnp.concatenate([jnp.take(x, row, axis=0), jnp.take(x, col, axis=0), edge_attr], axis=-1)
    h = jax.nn.relu(edge_features @ W_e1 + b_e1)
    messages = h @ W_e2 + b_e2
    aggregated = jnp.zeros_like(x).at[row].add(messages)
    out = jnp.concatenate([x, aggregated], axis=-1)
    out = jax.nn.relu(out @ W_n1 + b_n1)
    out = out @ W_n2 + b_n2
    return out

if __name__ == "__main__":
    import jax
    _d = setup_inputs()
    print(jax.jit(kernel)(*tuple(_d.values())))

</pallas_src>

<mosaic_0001>
#map = affine_map<(d0, d1) -> (0, 0)>
#map1 = affine_map<(d0, d1) -> (0, 0, 0)>
module attributes {stable_mosaic.version = 14 : i64} {
  func.func @_scatter_body(%arg0: i32, %arg1: i32, %arg2: memref<320000x128xf32, #tpu.memory_space<hbm>>, %arg3: memref<32x125x80xi32, #tpu.memory_space<hbm>>, %arg4: memref<2x10000x128xf32, #tpu.memory_space<hbm>>, %arg5: memref<125x80xi32, #tpu.memory_space<vmem>>, %arg6: memref<2x80x128xf32, #tpu.memory_space<vmem>>, %arg7: memref<10000x128xf32, #tpu.memory_space<vmem_shared>>, %arg8: memref<2x!tpu.dma_semaphore, #tpu.memory_space<semaphore_mem>>) attributes {dimension_semantics = [#tpu.dimension_semantics<core_parallel>, #tpu.dimension_semantics<subcore_parallel>], iteration_bounds = array<i64: 2, 16>, scalar_prefetch = 0 : i64, scratch_operands = 4 : i64, tpu.core_type = #tpu.core_type<sc_vector_subcore>, window_params = [{transform_indices = #map}, {transform_indices = #map1}, {transform_indices = #map1}]} {
    %mul3A = arith.constant 2 : i32
    %mul3A_0 = arith.muli %arg1, %mul3A : i32
    %add3A = arith.addi %mul3A_0, %arg0 : i32
    %scan3A = arith.constant 0 : i32
    %scan3A_1 = arith.constant 0 : i32
    %scan3A_2 = arith.constant 80 : i32
    %scan3A_3 = arith.addi %scan3A_1, %scan3A_2 : i32
    %scan3A_4 = arith.constant 1 : i32
    scf.for %scan3A_89 = %scan3A_1 to %scan3A_3 step %scan3A_4  : i32 {
      %broadcast_in_dim3A = arith.constant 0.000000e+00 : f32
      %broadcast_in_dim3A_90 = vector.broadcast %broadcast_in_dim3A : f32 to vector<16xf32>
      %swap3A = arith.constant 0 : i32
      %swap3A_91 = arith.index_cast %swap3A : i32 to index
      %swap3A_92 = arith.index_cast %scan3A_89 : i32 to index
      %swap3A_93 = arith.constant 0 : index
      %swap3A_94 = tpu.vector_load %arg6[%swap3A_91, %swap3A_92, %swap3A_93] {strides = array<i32>} : memref<2x80x128xf32, #tpu.memory_space<vmem>>, vector<1x1x16xf32>,
      %swap3A_95 = vector.shape_cast %swap3A_94 : vector<1x1x16xf32> to vector<16xf32>
      %swap3A_96 = vector.shape_cast %broadcast_in_dim3A_90 : vector<16xf32> to vector<1x1x16xf32>
      tpu.vector_store %arg6[%swap3A_91, %swap3A_92, %swap3A_93], %swap3A_96 {strides = array<i32>} : memref<2x80x128xf32, #tpu.memory_space<vmem>>, vector<1x1x16xf32>,
      %broadcast_in_dim3A_97 = arith.constant 0.000000e+00 : f32
      %broadcast_in_dim3A_98 = vector.broadcast %broadcast_in_dim3A_97 : f32 to vector<16xf32>
      %swap3A_99 = arith.constant 0 : i32
      %swap3A_100 = arith.index_cast %swap3A_99 : i32 to index
      %swap3A_101 = arith.index_cast %scan3A_89 : i32 to index
      %swap3A_102 = arith.constant 16 : index
      %swap3A_103 = tpu.vector_load %arg6[%swap3A_100, %swap3A_101, %swap3A_102] {strides = array<i32>} : memref<2x80x128xf32, #tpu.memory_space<vmem>>, vector<1x1x16xf32>,
      %swap3A_104 = vector.shape_cast %swap3A_103 : vector<1x1x16xf32> to vector<16xf32>
      %swap3A_105 = vector.shape_cast %broadcast_in_dim3A_98 : vector<16xf32> to vector<1x1x16xf32>
      tpu.vector_store %arg6[%swap3A_100, %swap3A_101, %swap3A_102], %swap3A_105 {strides = array<i32>} : memref<2x80x128xf32, #tpu.memory_space<vmem>>, vector<1x1x16xf32>,
      %broadcast_in_dim3A_106 = arith.constant 0.000000e+00 : f32
      %broadcast_in_dim3A_107 = vector.broadcast %broadcast_in_dim3A_106 : f32 to vector<16xf32>
      %swap3A_108 = arith.constant 0 : i32
      %swap3A_109 = arith.index_cast %swap3A_108 : i32 to index
      %swap3A_110 = arith.index_cast %scan3A_89 : i32 to index
      %swap3A_111 = arith.constant 32 : index
      %swap3A_112 = tpu.vector_load %arg6[%swap3A_109, %swap3A_110, %swap3A_111] {strides = array<i32>} : memref<2x80x128xf32, #tpu.memory_space<vmem>>, vector<1x1x16xf32>,
      %swap3A_113 = vector.shape_cast %swap3A_112 : vector<1x1x16xf32> to vector<16xf32>
      %swap3A_114 = vector.shape_cast %broadcast_in_dim3A_107 : vector<16xf32> to vector<1x1x16xf32>
      tpu.vector_store %arg6[%swap3A_109, %swap3A_110, %swap3A_111], %swap3A_114 {strides = array<i32>} : memref<2x80x128xf32, #tpu.memory_space<vmem>>, vector<1x1x16xf32>,
      %broadcast_in_dim3A_115 = arith.constant 0.000000e+00 : f32
      %broadcast_in_dim3A_116 = vector.broadcast %broadcast_in_dim3A_115 : f32 to vector<16xf32>
      %swap3A_117 = arith.constant 0 : i32
      %swap3A_118 = arith.index_cast %swap3A_117 : i32 to index
      %swap3A_119 = arith.index_cast %scan3A_89 : i32 to index
      %swap3A_120 = arith.constant 48 : index
      %swap3A_121 = tpu.vector_load %arg6[%swap3A_118, %swap3A_119, %swap3A_120] {strides = array<i32>} : memref<2x80x128xf32, #tpu.memory_space<vmem>>, vector<1x1x16xf32>,
      %swap3A_122 = vector.shape_cast %swap3A_121 : vector<1x1x16xf32> to vector<16xf32>
      %swap3A_123 = vector.shape_cast %broadcast_in_dim3A_116 : vector<16xf32> to vector<1x1x16xf32>
      tpu.vector_store %arg6[%swap3A_118, %swap3A_119, %swap3A_120], %swap3A_123 {strides = array<i32>} : memref<2x80x128xf32, #tpu.memory_space<vmem>>, vector<1x1x16xf32>,
      %broadcast_in_dim3A_124 = arith.constant 0.000000e+00 : f32
      %broadcast_in_dim3A_125 = vector.broadcast %broadcast_in_dim3A_124 : f32 to vector<16xf32>
      %swap3A_126 = arith.constant 0 : i32
      %swap3A_127 = arith.index_cast %swap3A_126 : i32 to index
      %swap3A_128 = arith.index_cast %scan3A_89 : i32 to index
      %swap3A_129 = arith.constant 64 : index
      %swap3A_130 = tpu.vector_load %arg6[%swap3A_127, %swap3A_128, %swap3A_129] {strides = array<i32>} : memref<2x80x128xf32, #tpu.memory_space<vmem>>, vector<1x1x16xf32>,
      %swap3A_131 = vector.shape_cast %swap3A_130 : vector<1x1x16xf32> to vector<16xf32>
      %swap3A_132 = vector.shape_cast %broadcast_in_dim3A_125 : vector<16xf32> to vector<1x1x16xf32>
      tpu.vector_store %arg6[%swap3A_127, %swap3A_128, %swap3A_129], %swap3A_132 {strides = array<i32>} : memref<2x80x128xf32, #tpu.memory_space<vmem>>, vector<1x1x16xf32>,
      %broadcast_in_dim3A_133 = arith.constant 0.000000e+00 : f32
      %broadcast_in_dim3A_134 = vector.broadcast %broadcast_in_dim3A_133 : f32 to vector<16xf32>
      %swap3A_135 = arith.constant 0 : i32
      %swap3A_136 = arith.index_cast %swap3A_135 : i32 to index
      %swap3A_137 = arith.index_cast %scan3A_89 : i32 to index
      %swap3A_138 = arith.constant 80 : index
      %swap3A_139 = tpu.vector_load %arg6[%swap3A_136, %swap3A_137, %swap3A_138] {strides = array<i32>} : memref<2x80x128xf32, #tpu.memory_space<vmem>>, vector<1x1x16xf32>,
      %swap3A_140 = vector.shape_cast %swap3A_139 : vector<1x1x16xf32> to vector<16xf32>
      %swap3A_141 = vector.shape_cast %broadcast_in_dim3A_134 : vector<16xf32> to vector<1x1x16xf32>
      tpu.vector_store %arg6[%swap3A_136, %swap3A_137, %swap3A_138], %swap3A_141 {strides = array<i32>} : memref<2x80x128xf32, #tpu.memory_space<vmem>>, vector<1x1x16xf32>,
      %broadcast_in_dim3A_142 = arith.constant 0.000000e+00 : f32
      %broadcast_in_dim3A_143 = vector.broadcast %broadcast_in_dim3A_142 : f32 to vector<16xf32>
      %swap3A_144 = arith.constant 0 : i32
      %swap3A_145 = arith.index_cast %swap3A_144 : i32 to index
      %swap3A_146 = arith.index_cast %scan3A_89 : i32 to index
      %swap3A_147 = arith.constant 96 : index
      %swap3A_148 = tpu.vector_load %arg6[%swap3A_145, %swap3A_146, %swap3A_147] {strides = array<i32>} : memref<2x80x128xf32, #tpu.memory_space<vmem>>, vector<1x1x16xf32>,
      %swap3A_149 = vector.shape_cast %swap3A_148 : vector<1x1x16xf32> to vector<16xf32>
      %swap3A_150 = vector.shape_cast %broadcast_in_dim3A_143 : vector<16xf32> to vector<1x1x16xf32>
      tpu.vector_store %arg6[%swap3A_145, %swap3A_146, %swap3A_147], %swap3A_150 {strides = array<i32>} : memref<2x80x128xf32, #tpu.memory_space<vmem>>, vector<1x1x16xf32>,
      %broadcast_in_dim3A_151 = arith.constant 0.000000e+00 : f32
      %broadcast_in_dim3A_152 = vector.broadcast %broadcast_in_dim3A_151 : f32 to vector<16xf32>
      %swap3A_153 = arith.constant 0 : i32
      %swap3A_154 = arith.index_cast %swap3A_153 : i32 to index
      %swap3A_155 = arith.index_cast %scan3A_89 : i32 to index
      %swap3A_156 = arith.constant 112 : index
      %swap3A_157 = tpu.vector_load %arg6[%swap3A_154, %swap3A_155, %swap3A_156] {strides = array<i32>} : memref<2x80x128xf32, #tpu.memory_space<vmem>>, vector<1x1x16xf32>,
      %swap3A_158 = vector.shape_cast %swap3A_157 : vector<1x1x16xf32> to vector<16xf32>
      %swap3A_159 = vector.shape_cast %broadcast_in_dim3A_152 : vector<16xf32> to vector<1x1x16xf32>
      tpu.vector_store %arg6[%swap3A_154, %swap3A_155, %swap3A_156], %swap3A_159 {strides = array<i32>} : memref<2x80x128xf32, #tpu.memory_space<vmem>>, vector<1x1x16xf32>,
    }
    %scan3A_5 = arith.constant 80 : i32
    %mul3A_6 = arith.constant 624 : i32
    %mul3A_7 = arith.muli %arg1, %mul3A_6 : i32
    %add3A_8 = arith.constant 0 : i32
    %add3A_9 = arith.addi %mul3A_7, %add3A_8 : i32
    %multiple_of3A = tpu.assume_multiple %add3A_9, 8 : i32
    %run_scoped3A = arith.constant 0 : i32
    "tpu.region"() ({
      %run_scoped3A_89 = tpu.sem_alloc : memref<!tpu.dma_semaphore, #tpu.memory_space<semaphore_mem>>
      %dma_start3A_90 = arith.constant 0 : i32
      %dma_start3A_91 = arith.constant 0 : i32
      %dma_start3A_92 = tpu.memref_slice %arg6[%run_scoped3A, %dma_start3A_90, %dma_start3A_91] : memref<2x80x128xf32, #tpu.memory_space<vmem>> -> memref<1x80x128xf32, #tpu.memory_space<vmem>>
      %dma_start3A_93 = tpu.memref_squeeze %dma_start3A_92 : memref<1x80x128xf32, #tpu.memory_space<vmem>> -> memref<80x128xf32, #tpu.memory_space<vmem>>
      %dma_start3A_94 = arith.constant 0 : i32
      %dma_start3A_95 = tpu.memref_slice %arg7[%multiple_of3A, %dma_start3A_94] : memref<10000x128xf32, #tpu.memory_space<vmem_shared>> -> memref<80x128xf32, #tpu.memory_space<vmem_shared>>
      %dma_start3A_96 = arith.constant 0 : i32
      %dma_start3A_97 = tpu.memref_slice %arg7[%multiple_of3A, %dma_start3A_96] : memref<10000x128xf32, #tpu.memory_space<vmem_shared>> -> memref<80x128xf32, #tpu.memory_space<vmem_shared>>
      %dma_start3A_98 = arith.constant 0 : i32
      %dma_start3A_99 = arith.constant 0 : i32
      %dma_start3A_100 = tpu.memref_slice %arg6[%run_scoped3A, %dma_start3A_98, %dma_start3A_99] : memref<2x80x128xf32, #tpu.memory_space<vmem>> -> memref<1x80x128xf32, #tpu.memory_space<vmem>>
      %dma_start3A_101 = tpu.memref_squeeze %dma_start3A_100 : memref<1x80x128xf32, #tpu.memory_space<vmem>> -> memref<80x128xf32, #tpu.memory_space<vmem>>
      tpu.enqueue_dma source(%dma_start3A_101 : memref<80x128xf32, #tpu.memory_space<vmem>>) target(%dma_start3A_97 : memref<80x128xf32, #tpu.memory_space<vmem_shared>>) target_semaphore(%run_scoped3A_89 : memref<!tpu.dma_semaphore, #tpu.memory_space<semaphore_mem>>)
      %dma_wait3A = arith.constant 0 : i32
      %dma_wait3A_102 = arith.constant 0 : i32
      %dma_wait3A_103 = tpu.memref_slice %arg6[%run_scoped3A, %dma_wait3A, %dma_wait3A_102] : memref<2x80x128xf32, #tpu.memory_space<vmem>> -> memref<1x80x128xf32, #tpu.memory_space<vmem>>
      %dma_wait3A_104 = tpu.memref_squeeze %dma_wait3A_103 : memref<1x80x128xf32, #tpu.memory_space<vmem>> -> memref<80x128xf32, #tpu.memory_space<vmem>>
      %dma_wait3A_105 = arith.constant 0 : i32
      %dma_wait3A_106 = tpu.memref_slice %arg7[%multiple_of3A, %dma_wait3A_105] : memref<10000x128xf32, #tpu.memory_space<vmem_shared>> -> memref<80x128xf32, #tpu.memory_space<vmem_shared>>
      %dma_wait3A_107 = arith.constant 0 : i32
      %dma_wait3A_108 = tpu.memref_slice %arg7[%multiple_of3A, %dma_wait3A_107] : memref<10000x128xf32, #tpu.memory_space<vmem_shared>> -> memref<80x128xf32, #tpu.memory_space<vmem_shared>>
      %dma_wait3A_109 = arith.constant 0 : i32
      %dma_wait3A_110 = arith.constant 0 : i32
      %dma_wait3A_111 = tpu.memref_slice %arg6[%run_scoped3A, %dma_wait3A_109, %dma_wait3A_110] : memref<2x80x128xf32, #tpu.memory_space<vmem>> -> memref<1x80x128xf32, #tpu.memory_space<vmem>>
      %dma_wait3A_112 = tpu.memref_squeeze %dma_wait3A_111 : memref<1x80x128xf32, #tpu.memory_space<vmem>> -> memref<80x128xf32, #tpu.memory_space<vmem>>
      tpu.wait_dma2 semaphore(%run_scoped3A_89 : memref<!tpu.dma_semaphore, #tpu.memory_space<semaphore_mem>>) src(%dma_wait3A_112 : memref<80x128xf32, #tpu.memory_space<vmem>>) dst(%dma_wait3A_108 : memref<80x128xf32, #tpu.memory_space<vmem_shared>>)
      tpu.yield
    }) : () -> ()
    %mul3A_10 = arith.constant 624 : i32
    %mul3A_11 = arith.muli %arg1, %mul3A_10 : i32
    %add3A_12 = arith.constant 80 : i32
    %add3A_13 = arith.addi %mul3A_11, %add3A_12 : i32
    %multiple_of3A_14 = tpu.assume_multiple %add3A_13, 8 : i32
    %run_scoped3A_15 = arith.constant 0 : i32
    "tpu.region"() ({
      %run_scoped3A_89 = tpu.sem_alloc : memref<!tpu.dma_semaphore, #tpu.memory_space<semaphore_mem>>
      %dma_start3A_90 = arith.constant 0 : i32
      %dma_start3A_91 = arith.constant 0 : i32
      %dma_start3A_92 = tpu.memref_slice %arg6[%run_scoped3A_15, %dma_start3A_90, %dma_start3A_91] : memref<2x80x128xf32, #tpu.memory_space<vmem>> -> memref<1x80x128xf32, #tpu.memory_space<vmem>>
      %dma_start3A_93 = tpu.memref_squeeze %dma_start3A_92 : memref<1x80x128xf32, #tpu.memory_space<vmem>> -> memref<80x128xf32, #tpu.memory_space<vmem>>
      %dma_start3A_94 = arith.constant 0 : i32
      %dma_start3A_95 = tpu.memref_slice %arg7[%multiple_of3A_14, %dma_start3A_94] : memref<10000x128xf32, #tpu.memory_space<vmem_shared>> -> memref<80x128xf32, #tpu.memory_space<vmem_shared>>
      %dma_start3A_96 = arith.constant 0 : i32
      %dma_start3A_97 = tpu.memref_slice %arg7[%multiple_of3A_14, %dma_start3A_96] : memref<10000x128xf32, #tpu.memory_space<vmem_shared>> -> memref<80x128xf32, #tpu.memory_space<vmem_shared>>
      %dma_start3A_98 = arith.constant 0 : i32
      %dma_start3A_99 = arith.constant 0 : i32
      %dma_start3A_100 = tpu.memref_slice %arg6[%run_scoped3A_15, %dma_start3A_98, %dma_start3A_99] : memref<2x80x128xf32, #tpu.memory_space<vmem>> -> memref<1x80x128xf32, #tpu.memory_space<vmem>>
      %dma_start3A_101 = tpu.memref_squeeze %dma_start3A_100 : memref<1x80x128xf32, #tpu.memory_space<vmem>> -> memref<80x128xf32, #tpu.memory_space<vmem>>
      tpu.enqueue_dma source(%dma_start3A_101 : memref<80x128xf32, #tpu.memory_space<vmem>>) target(%dma_start3A_97 : memref<80x128xf32, #tpu.memory_space<vmem_shared>>) target_semaphore(%run_scoped3A_89 : memref<!tpu.dma_semaphore, #tpu.memory_space<semaphore_mem>>)
      %dma_wait3A = arith.constant 0 : i32
      %dma_wait3A_102 = arith.constant 0 : i32
      %dma_wait3A_103 = tpu.memref_slice %arg6[%run_scoped3A_15, %dma_wait3A, %dma_wait3A_102] : memref<2x80x128xf32, #tpu.memory_space<vmem>> -> memref<1x80x128xf32, #tpu.memory_space<vmem>>
      %dma_wait3A_104 = tpu.memref_squeeze %dma_wait3A_103 : memref<1x80x128xf32, #tpu.memory_space<vmem>> -> memref<80x128xf32, #tpu.memory_space<vmem>>
      %dma_wait3A_105 = arith.constant 0 : i32
      %dma_wait3A_106 = tpu.memref_slice %arg7[%multiple_of3A_14, %dma_wait3A_105] : memref<10000x128xf32, #tpu.memory_space<vmem_shared>> -> memref<80x128xf32, #tpu.memory_space<vmem_shared>>
      %dma_wait3A_107 = arith.constant 0 : i32
      %dma_wait3A_108 = tpu.memref_slice %arg7[%multiple_of3A_14, %dma_wait3A_107] : memref<10000x128xf32, #tpu.memory_space<vmem_shared>> -> memref<80x128xf32, #tpu.memory_space<vmem_shared>>
      %dma_wait3A_109 = arith.constant 0 : i32
      %dma_wait3A_110 = arith.constant 0 : i32
      %dma_wait3A_111 = tpu.memref_slice %arg6[%run_scoped3A_15, %dma_wait3A_109, %dma_wait3A_110] : memref<2x80x128xf32, #tpu.memory_space<vmem>> -> memref<1x80x128xf32, #tpu.memory_space<vmem>>
      %dma_wait3A_112 = tpu.memref_squeeze %dma_wait3A_111 : memref<1x80x128xf32, #tpu.memory_space<vmem>> -> memref<80x128xf32, #tpu.memory_space<vmem>>
      tpu.wait_dma2 semaphore(%run_scoped3A_89 : memref<!tpu.dma_semaphore, #tpu.memory_space<semaphore_mem>>) src(%dma_wait3A_112 : memref<80x128xf32, #tpu.memory_space<vmem>>) dst(%dma_wait3A_108 : memref<80x128xf32, #tpu.memory_space<vmem_shared>>)
      tpu.yield
    }) : () -> ()
    %mul3A_16 = arith.constant 624 : i32
    %mul3A_17 = arith.muli %arg1, %mul3A_16 : i32
    %add3A_18 = arith.constant 160 : i32
    %add3A_19 = arith.addi %mul3A_17, %add3A_18 : i32
    %multiple_of3A_20 = tpu.assume_multiple %add3A_19, 8 : i32
    %run_scoped3A_21 = arith.constant 0 : i32
    "tpu.region"() ({
      %run_scoped3A_89 = tpu.sem_alloc : memref<!tpu.dma_semaphore, #tpu.memory_space<semaphore_mem>>
      %dma_start3A_90 = arith.constant 0 : i32
      %dma_start3A_91 = arith.constant 0 : i32
      %dma_start3A_92 = tpu.memref_slice %arg6[%run_scoped3A_21, %dma_start3A_90, %dma_start3A_91] : memref<2x80x128xf32, #tpu.memory_space<vmem>> -> memref<1x80x128xf32, #tpu.memory_space<vmem>>
      %dma_start3A_93 = tpu.memref_squeeze %dma_start3A_92 : memref<1x80x128xf32, #tpu.memory_space<vmem>> -> memref<80x128xf32, #tpu.memory_space<vmem>>
      %dma_start3A_94 = arith.constant 0 : i32
      %dma_start3A_95 = tpu.memref_slice %arg7[%multiple_of3A_20, %dma_start3A_94] : memref<10000x128xf32, #tpu.memory_space<vmem_shared>> -> memref<80x128xf32, #tpu.memory_space<vmem_shared>>
      %dma_start3A_96 = arith.constant 0 : i32
      %dma_start3A_97 = tpu.memref_slice %arg7[%multiple_of3A_20, %dma_start3A_96] : memref<10000x128xf32, #tpu.memory_space<vmem_shared>> -> memref<80x128xf32, #tpu.memory_space<vmem_shared>>
      %dma_start3A_98 = arith.constant 0 : i32
      %dma_start3A_99 = arith.constant 0 : i32
      %dma_start3A_100 = tpu.memref_slice %arg6[%run_scoped3A_21, %dma_start3A_98, %dma_start3A_99] : memref<2x80x128xf32, #tpu.memory_space<vmem>> -> memref<1x80x128xf32, #tpu.memory_space<vmem>>
      %dma_start3A_101 = tpu.memref_squeeze %dma_start3A_100 : memref<1x80x128xf32, #tpu.memory_space<vmem>> -> memref<80x128xf32, #tpu.memory_space<vmem>>
      tpu.enqueue_dma source(%dma_start3A_101 : memref<80x128xf32, #tpu.memory_space<vmem>>) target(%dma_start3A_97 : memref<80x128xf32, #tpu.memory_space<vmem_shared>>) target_semaphore(%run_scoped3A_89 : memref<!tpu.dma_semaphore, #tpu.memory_space<semaphore_mem>>)
      %dma_wait3A = arith.constant 0 : i32
      %dma_wait3A_102 = arith.constant 0 : i32
      %dma_wait3A_103 = tpu.memref_slice %arg6[%run_scoped3A_21, %dma_wait3A, %dma_wait3A_102] : memref<2x80x128xf32, #tpu.memory_space<vmem>> -> memref<1x80x128xf32, #tpu.memory_space<vmem>>
      %dma_wait3A_104 = tpu.memref_squeeze %dma_wait3A_103 : memref<1x80x128xf32, #tpu.memory_space<vmem>> -> memref<80x128xf32, #tpu.memory_space<vmem>>
      %dma_wait3A_105 = arith.constant 0 : i32
      %dma_wait3A_106 = tpu.memref_slice %arg7[%multiple_of3A_20, %dma_wait3A_105] : memref<10000x128xf32, #tpu.memory_space<vmem_shared>> -> memref<80x128xf32, #tpu.memory_space<vmem_shared>>
      %dma_wait3A_107 = arith.constant 0 : i32
      %dma_wait3A_108 = tpu.memref_slice %arg7[%multiple_of3A_20, %dma_wait3A_107] : memref<10000x128xf32, #tpu.memory_space<vmem_shared>> -> memref<80x128xf32, #tpu.memory_space<vmem_shared>>
      %dma_wait3A_109 = arith.constant 0 : i32
      %dma_wait3A_110 = arith.constant 0 : i32
      %dma_wait3A_111 = tpu.memref_slice %arg6[%run_scoped3A_21, %dma_wait3A_109, %dma_wait3A_110] : memref<2x80x128xf32, #tpu.memory_space<vmem>> -> memref<1x80x128xf32, #tpu.memory_space<vmem>>
      %dma_wait3A_112 = tpu.memref_squeeze %dma_wait3A_111 : memref<1x80x128xf32, #tpu.memory_space<vmem>> -> memref<80x128xf32, #tpu.memory_space<vmem>>
      tpu.wait_dma2 semaphore(%run_scoped3A_89 : memref<!tpu.dma_semaphore, #tpu.memory_space<semaphore_mem>>) src(%dma_wait3A_112 : memref<80x128xf32, #tpu.memory_space<vmem>>) dst(%dma_wait3A_108 : memref<80x128xf32, #tpu.memory_space<vmem_shared>>)
      tpu.yield
    }) : () -> ()
    %mul3A_22 = arith.constant 624 : i32
    %mul3A_23 = arith.muli %arg1, %mul3A_22 : i32
    %add3A_24 = arith.constant 240 : i32
    %add3A_25 = arith.addi %mul3A_23, %add3A_24 : i32
    %multiple_of3A_26 = tpu.assume_multiple %add3A_25, 8 : i32
    %run_scoped3A_27 = arith.constant 0 : i32
    "tpu.region"() ({
      %run_scoped3A_89 = tpu.sem_alloc : memref<!tpu.dma_semaphore, #tpu.memory_space<semaphore_mem>>
      %dma_start3A_90 = arith.constant 0 : i32
      %dma_start3A_91 = arith.constant 0 : i32
      %dma_start3A_92 = tpu.memref_slice %arg6[%run_scoped3A_27, %dma_start3A_90, %dma_start3A_91] : memref<2x80x128xf32, #tpu.memory_space<vmem>> -> memref<1x80x128xf32, #tpu.memory_space<vmem>>
      %dma_start3A_93 = tpu.memref_squeeze %dma_start3A_92 : memref<1x80x128xf32, #tpu.memory_space<vmem>> -> memref<80x128xf32, #tpu.memory_space<vmem>>
      %dma_start3A_94 = arith.constant 0 : i32
      %dma_start3A_95 = tpu.memref_slice %arg7[%multiple_of3A_26, %dma_start3A_94] : memref<10000x128xf32, #tpu.memory_space<vmem_shared>> -> memref<80x128xf32, #tpu.memory_space<vmem_shared>>
      %dma_start3A_96 = arith.constant 0 : i32
      %dma_start3A_97 = tpu.memref_slice %arg7[%multiple_of3A_26, %dma_start3A_96] : memref<10000x128xf32, #tpu.memory_space<vmem_shared>> -> memref<80x128xf32, #tpu.memory_space<vmem_shared>>
      %dma_start3A_98 = arith.constant 0 : i32
      %dma_start3A_99 = arith.constant 0 : i32
      %dma_start3A_100 = tpu.memref_slice %arg6[%run_scoped3A_27, %dma_start3A_98, %dma_start3A_99] : memref<2x80x128xf32, #tpu.memory_space<vmem>> -> memref<1x80x128xf32, #tpu.memory_space<vmem>>
      %dma_start3A_101 = tpu.memref_squeeze %dma_start3A_100 : memref<1x80x128xf32, #tpu.memory_space<vmem>> -> memref<80x128xf32, #tpu.memory_space<vmem>>
      tpu.enqueue_dma source(%dma_start3A_101 : memref<80x128xf32, #tpu.memory_space<vmem>>) target(%dma_start3A_97 : memref<80x128xf32, #tpu.memory_space<vmem_shared>>) target_semaphore(%run_scoped3A_89 : memref<!tpu.dma_semaphore, #tpu.memory_space<semaphore_mem>>)
      %dma_wait3A = arith.constant 0 : i32
      %dma_wait3A_102 = arith.constant 0 : i32
      %dma_wait3A_103 = tpu.memref_slice %arg6[%run_scoped3A_27, %dma_wait3A, %dma_wait3A_102] : memref<2x80x128xf32, #tpu.memory_space<vmem>> -> memref<1x80x128xf32, #tpu.memory_space<vmem>>
      %dma_wait3A_104 = tpu.memref_squeeze %dma_wait3A_103 : memref<1x80x128xf32, #tpu.memory_space<vmem>> -> memref<80x128xf32, #tpu.memory_space<vmem>>
      %dma_wait3A_105 = arith.constant 0 : i32
      %dma_wait3A_106 = tpu.memref_slice %arg7[%multiple_of3A_26, %dma_wait3A_105] : memref<10000x128xf32, #tpu.memory_space<vmem_shared>> -> memref<80x128xf32, #tpu.memory_space<vmem_shared>>
      %dma_wait3A_107 = arith.constant 0 : i32
      %dma_wait3A_108 = tpu.memref_slice %arg7[%multiple_of3A_26, %dma_wait3A_107] : memref<10000x128xf32, #tpu.memory_space<vmem_shared>> -> memref<80x128xf32, #tpu.memory_space<vmem_shared>>
      %dma_wait3A_109 = arith.constant 0 : i32
      %dma_wait3A_110 = arith.constant 0 : i32
      %dma_wait3A_111 = tpu.memref_slice %arg6[%run_scoped3A_27, %dma_wait3A_109, %dma_wait3A_110] : memref<2x80x128xf32, #tpu.memory_space<vmem>> -> memref<1x80x128xf32, #tpu.memory_space<vmem>>
      %dma_wait3A_112 = tpu.memref_squeeze %dma_wait3A_111 : memref<1x80x128xf32, #tpu.memory_space<vmem>> -> memref<80x128xf32, #tpu.memory_space<vmem>>
      tpu.wait_dma2 semaphore(%run_scoped3A_89 : memref<!tpu.dma_semaphore, #tpu.memory_space<semaphore_mem>>) src(%dma_wait3A_112 : memref<80x128xf32, #tpu.memory_space<vmem>>) dst(%dma_wait3A_108 : memref<80x128xf32, #tpu.memory_space<vmem_shared>>)
      tpu.yield
    }) : () -> ()
    %mul3A_28 = arith.constant 624 : i32
    %mul3A_29 = arith.muli %arg1, %mul3A_28 : i32
    %add3A_30 = arith.constant 320 : i32
    %add3A_31 = arith.addi %mul3A_29, %add3A_30 : i32
    %multiple_of3A_32 = tpu.assume_multiple %add3A_31, 8 : i32
    %run_scoped3A_33 = arith.constant 0 : i32
    "tpu.region"() ({
      %run_scoped3A_89 = tpu.sem_alloc : memref<!tpu.dma_semaphore, #tpu.memory_space<semaphore_mem>>
      %dma_start3A_90 = arith.constant 0 : i32
      %dma_start3A_91 = arith.constant 0 : i32
      %dma_start3A_92 = tpu.memref_slice %arg6[%run_scoped3A_33, %dma_start3A_90, %dma_start3A_91] : memref<2x80x128xf32, #tpu.memory_space<vmem>> -> memref<1x80x128xf32, #tpu.memory_space<vmem>>
      %dma_start3A_93 = tpu.memref_squeeze %dma_start3A_92 : memref<1x80x128xf32, #tpu.memory_space<vmem>> -> memref<80x128xf32, #tpu.memory_space<vmem>>
      %dma_start3A_94 = arith.constant 0 : i32
      %dma_start3A_95 = tpu.memref_slice %arg7[%multiple_of3A_32, %dma_start3A_94] : memref<10000x128xf32, #tpu.memory_space<vmem_shared>> -> memref<80x128xf32, #tpu.memory_space<vmem_shared>>
      %dma_start3A_96 = arith.constant 0 : i32
      %dma_start3A_97 = tpu.memref_slice %arg7[%multiple_of3A_32, %dma_start3A_96] : memref<10000x128xf32, #tpu.memory_space<vmem_shared>> -> memref<80x128xf32, #tpu.memory_space<vmem_shared>>
      %dma_start3A_98 = arith.constant 0 : i32
      %dma_start3A_99 = arith.constant 0 : i32
      %dma_start3A_100 = tpu.memref_slice %arg6[%run_scoped3A_33, %dma_start3A_98, %dma_start3A_99] : memref<2x80x128xf32, #tpu.memory_space<vmem>> -> memref<1x80x128xf32, #tpu.memory_space<vmem>>
      %dma_start3A_101 = tpu.memref_squeeze %dma_start3A_100 : memref<1x80x128xf32, #tpu.memory_space<vmem>> -> memref<80x128xf32, #tpu.memory_space<vmem>>
      tpu.enqueue_dma source(%dma_start3A_101 : memref<80x128xf32, #tpu.memory_space<vmem>>) target(%dma_start3A_97 : memref<80x128xf32, #tpu.memory_space<vmem_shared>>) target_semaphore(%run_scoped3A_89 : memref<!tpu.dma_semaphore, #tpu.memory_space<semaphore_mem>>)
      %dma_wait3A = arith.constant 0 : i32
      %dma_wait3A_102 = arith.constant 0 : i32
      %dma_wait3A_103 = tpu.memref_slice %arg6[%run_scoped3A_33, %dma_wait3A, %dma_wait3A_102] : memref<2x80x128xf32, #tpu.memory_space<vmem>> -> memref<1x80x128xf32, #tpu.memory_space<vmem>>
      %dma_wait3A_104 = tpu.memref_squeeze %dma_wait3A_103 : memref<1x80x128xf32, #tpu.memory_space<vmem>> -> memref<80x128xf32, #tpu.memory_space<vmem>>
      %dma_wait3A_105 = arith.constant 0 : i32
      %dma_wait3A_106 = tpu.memref_slice %arg7[%multiple_of3A_32, %dma_wait3A_105] : memref<10000x128xf32, #tpu.memory_space<vmem_shared>> -> memref<80x128xf32, #tpu.memory_space<vmem_shared>>
      %dma_wait3A_107 = arith.constant 0 : i32
      %dma_wait3A_108 = tpu.memref_slice %arg7[%multiple_of3A_32, %dma_wait3A_107] : memref<10000x128xf32, #tpu.memory_space<vmem_shared>> -> memref<80x128xf32, #tpu.memory_space<vmem_shared>>
      %dma_wait3A_109 = arith.constant 0 : i32
      %dma_wait3A_110 = arith.constant 0 : i32
      %dma_wait3A_111 = tpu.memref_slice %arg6[%run_scoped3A_33, %dma_wait3A_109, %dma_wait3A_110] : memref<2x80x128xf32, #tpu.memory_space<vmem>> -> memref<1x80x128xf32, #tpu.memory_space<vmem>>
      %dma_wait3A_112 = tpu.memref_squeeze %dma_wait3A_111 : memref<1x80x128xf32, #tpu.memory_space<vmem>> -> memref<80x128xf32, #tpu.memory_space<vmem>>
      tpu.wait_dma2 semaphore(%run_scoped3A_89 : memref<!tpu.dma_semaphore, #tpu.memory_space<semaphore_mem>>) src(%dma_wait3A_112 : memref<80x128xf32, #tpu.memory_space<vmem>>) dst(%dma_wait3A_108 : memref<80x128xf32, #tpu.memory_space<vmem_shared>>)
      tpu.yield
    }) : () -> ()
    %mul3A_34 = arith.constant 624 : i32
    %mul3A_35 = arith.muli %arg1, %mul3A_34 : i32
    %add3A_36 = arith.constant 400 : i32
    %add3A_37 = arith.addi %mul3A_35, %add3A_36 : i32
    %multiple_of3A_38 = tpu.assume_multiple %add3A_37, 8 : i32
    %run_scoped3A_39 = arith.constant 0 : i32
    "tpu.region"() ({
      %run_scoped3A_89 = tpu.sem_alloc : memref<!tpu.dma_semaphore, #tpu.memory_space<semaphore_mem>>
      %dma_start3A_90 = arith.constant 0 : i32
      %dma_start3A_91 = arith.constant 0 : i32
      %dma_start3A_92 = tpu.memref_slice %arg6[%run_scoped3A_39, %dma_start3A_90, %dma_start3A_91] : memref<2x80x128xf32, #tpu.memory_space<vmem>> -> memref<1x80x128xf32, #tpu.memory_space<vmem>>
      %dma_start3A_93 = tpu.memref_squeeze %dma_start3A_92 : memref<1x80x128xf32, #tpu.memory_space<vmem>> -> memref<80x128xf32, #tpu.memory_space<vmem>>
      %dma_start3A_94 = arith.constant 0 : i32
      %dma_start3A_95 = tpu.memref_slice %arg7[%multiple_of3A_38, %dma_start3A_94] : memref<10000x128xf32, #tpu.memory_space<vmem_shared>> -> memref<80x128xf32, #tpu.memory_space<vmem_shared>>
      %dma_start3A_96 = arith.constant 0 : i32
      %dma_start3A_97 = tpu.memref_slice %arg7[%multiple_of3A_38, %dma_start3A_96] : memref<10000x128xf32, #tpu.memory_space<vmem_shared>> -> memref<80x128xf32, #tpu.memory_space<vmem_shared>>
      %dma_start3A_98 = arith.constant 0 : i32
      %dma_start3A_99 = arith.constant 0 : i32
      %dma_start3A_100 = tpu.memref_slice %arg6[%run_scoped3A_39, %dma_start3A_98, %dma_start3A_99] : memref<2x80x128xf32, #tpu.memory_space<vmem>> -> memref<1x80x128xf32, #tpu.memory_space<vmem>>
      %dma_start3A_101 = tpu.memref_squeeze %dma_start3A_100 : memref<1x80x128xf32, #tpu.memory_space<vmem>> -> memref<80x128xf32, #tpu.memory_space<vmem>>
      tpu.enqueue_dma source(%dma_start3A_101 : memref<80x128xf32, #tpu.memory_space<vmem>>) target(%dma_start3A_97 : memref<80x128xf32, #tpu.memory_space<vmem_shared>>) target_semaphore(%run_scoped3A_89 : memref<!tpu.dma_semaphore, #tpu.memory_space<semaphore_mem>>)
      %dma_wait3A = arith.constant 0 : i32
      %dma_wait3A_102 = arith.constant 0 : i32
      %dma_wait3A_103 = tpu.memref_slice %arg6[%run_scoped3A_39, %dma_wait3A, %dma_wait3A_102] : memref<2x80x128xf32, #tpu.memory_space<vmem>> -> memref<1x80x128xf32, #tpu.memory_space<vmem>>
      %dma_wait3A_104 = tpu.memref_squeeze %dma_wait3A_103 : memref<1x80x128xf32, #tpu.memory_space<vmem>> -> memref<80x128xf32, #tpu.memory_space<vmem>>
      %dma_wait3A_105 = arith.constant 0 : i32
      %dma_wait3A_106 = tpu.memref_slice %arg7[%multiple_of3A_38, %dma_wait3A_105] : memref<10000x128xf32, #tpu.memory_space<vmem_shared>> -> memref<80x128xf32, #tpu.memory_space<vmem_shared>>
      %dma_wait3A_107 = arith.constant 0 : i32
      %dma_wait3A_108 = tpu.memref_slice %arg7[%multiple_of3A_38, %dma_wait3A_107] : memref<10000x128xf32, #tpu.memory_space<vmem_shared>> -> memref<80x128xf32, #tpu.memory_space<vmem_shared>>
      %dma_wait3A_109 = arith.constant 0 : i32
      %dma_wait3A_110 = arith.constant 0 : i32
      %dma_wait3A_111 = tpu.memref_slice %arg6[%run_scoped3A_39, %dma_wait3A_109, %dma_wait3A_110] : memref<2x80x128xf32, #tpu.memory_space<vmem>> -> memref<1x80x128xf32, #tpu.memory_space<vmem>>
      %dma_wait3A_112 = tpu.memref_squeeze %dma_wait3A_111 : memref<1x80x128xf32, #tpu.memory_space<vmem>> -> memref<80x128xf32, #tpu.memory_space<vmem>>
      tpu.wait_dma2 semaphore(%run_scoped3A_89 : memref<!tpu.dma_semaphore, #tpu.memory_space<semaphore_mem>>) src(%dma_wait3A_112 : memref<80x128xf32, #tpu.memory_space<vmem>>) dst(%dma_wait3A_108 : memref<80x128xf32, #tpu.memory_space<vmem_shared>>)
      tpu.yield
    }) : () -> ()
    %mul3A_40 = arith.constant 624 : i32
    %mul3A_41 = arith.muli %arg1, %mul3A_40 : i32
    %add3A_42 = arith.constant 480 : i32
    %add3A_43 = arith.addi %mul3A_41, %add3A_42 : i32
    %multiple_of3A_44 = tpu.assume_multiple %add3A_43, 8 : i32
    %run_scoped3A_45 = arith.constant 0 : i32
    "tpu.region"() ({
      %run_scoped3A_89 = tpu.sem_alloc : memref<!tpu.dma_semaphore, #tpu.memory_space<semaphore_mem>>
      %dma_start3A_90 = arith.constant 0 : i32
      %dma_start3A_91 = arith.constant 0 : i32
      %dma_start3A_92 = tpu.memref_slice %arg6[%run_scoped3A_45, %dma_start3A_90, %dma_start3A_91] : memref<2x80x128xf32, #tpu.memory_space<vmem>> -> memref<1x80x128xf32, #tpu.memory_space<vmem>>
      %dma_start3A_93 = tpu.memref_squeeze %dma_start3A_92 : memref<1x80x128xf32, #tpu.memory_space<vmem>> -> memref<80x128xf32, #tpu.memory_space<vmem>>
      %dma_start3A_94 = arith.constant 0 : i32
      %dma_start3A_95 = tpu.memref_slice %arg7[%multiple_of3A_44, %dma_start3A_94] : memref<10000x128xf32, #tpu.memory_space<vmem_shared>> -> memref<80x128xf32, #tpu.memory_space<vmem_shared>>
      %dma_start3A_96 = arith.constant 0 : i32
      %dma_start3A_97 = tpu.memref_slice %arg7[%multiple_of3A_44, %dma_start3A_96] : memref<10000x128xf32, #tpu.memory_space<vmem_shared>> -> memref<80x128xf32, #tpu.memory_space<vmem_shared>>
      %dma_start3A_98 = arith.constant 0 : i32
      %dma_start3A_99 = arith.constant 0 : i32
      %dma_start3A_100 = tpu.memref_slice %arg6[%run_scoped3A_45, %dma_start3A_98, %dma_start3A_99] : memref<2x80x128xf32, #tpu.memory_space<vmem>> -> memref<1x80x128xf32, #tpu.memory_space<vmem>>
      %dma_start3A_101 = tpu.memref_squeeze %dma_start3A_100 : memref<1x80x128xf32, #tpu.memory_space<vmem>> -> memref<80x128xf32, #tpu.memory_space<vmem>>
      tpu.enqueue_dma source(%dma_start3A_101 : memref<80x128xf32, #tpu.memory_space<vmem>>) target(%dma_start3A_97 : memref<80x128xf32, #tpu.memory_space<vmem_shared>>) target_semaphore(%run_scoped3A_89 : memref<!tpu.dma_semaphore, #tpu.memory_space<semaphore_mem>>)
      %dma_wait3A = arith.constant 0 : i32
      %dma_wait3A_102 = arith.constant 0 : i32
      %dma_wait3A_103 = tpu.memref_slice %arg6[%run_scoped3A_45, %dma_wait3A, %dma_wait3A_102] : memref<2x80x128xf32, #tpu.memory_space<vmem>> -> memref<1x80x128xf32, #tpu.memory_space<vmem>>
      %dma_wait3A_104 = tpu.memref_squeeze %dma_wait3A_103 : memref<1x80x128xf32, #tpu.memory_space<vmem>> -> memref<80x128xf32, #tpu.memory_space<vmem>>
      %dma_wait3A_105 = arith.constant 0 : i32
      %dma_wait3A_106 = tpu.memref_slice %arg7[%multiple_of3A_44, %dma_wait3A_105] : memref<10000x128xf32, #tpu.memory_space<vmem_shared>> -> memref<80x128xf32, #tpu.memory_space<vmem_shared>>
      %dma_wait3A_107 = arith.constant 0 : i32
      %dma_wait3A_108 = tpu.memref_slice %arg7[%multiple_of3A_44, %dma_wait3A_107] : memref<10000x128xf32, #tpu.memory_space<vmem_shared>> -> memref<80x128xf32, #tpu.memory_space<vmem_shared>>
      %dma_wait3A_109 = arith.constant 0 : i32
      %dma_wait3A_110 = arith.constant 0 : i32
      %dma_wait3A_111 = tpu.memref_slice %arg6[%run_scoped3A_45, %dma_wait3A_109, %dma_wait3A_110] : memref<2x80x128xf32, #tpu.memory_space<vmem>> -> memref<1x80x128xf32, #tpu.memory_space<vmem>>
      %dma_wait3A_112 = tpu.memref_squeeze %dma_wait3A_111 : memref<1x80x128xf32, #tpu.memory_space<vmem>> -> memref<80x128xf32, #tpu.memory_space<vmem>>
      tpu.wait_dma2 semaphore(%run_scoped3A_89 : memref<!tpu.dma_semaphore, #tpu.memory_space<semaphore_mem>>) src(%dma_wait3A_112 : memref<80x128xf32, #tpu.memory_space<vmem>>) dst(%dma_wait3A_108 : memref<80x128xf32, #tpu.memory_space<vmem_shared>>)
      tpu.yield
    }) : () -> ()
    %mul3A_46 = arith.constant 624 : i32
    %mul3A_47 = arith.muli %arg1, %mul3A_46 : i32
    %add3A_48 = arith.constant 560 : i32
    %add3A_49 = arith.addi %mul3A_47, %add3A_48 : i32
    %multiple_of3A_50 = tpu.assume_multiple %add3A_49, 8 : i32
    %run_scoped3A_51 = arith.constant 0 : i32
    "tpu.region"() ({
      %run_scoped3A_89 = tpu.sem_alloc : memref<!tpu.dma_semaphore, #tpu.memory_space<semaphore_mem>>
      %dma_start3A_90 = arith.constant 0 : i32
      %dma_start3A_91 = arith.constant 0 : i32
      %dma_start3A_92 = tpu.memref_slice %arg6[%run_scoped3A_51, %dma_start3A_90, %dma_start3A_91] : memref<2x80x128xf32, #tpu.memory_space<vmem>> -> memref<1x64x128xf32, #tpu.memory_space<vmem>>
      %dma_start3A_93 = tpu.memref_squeeze %dma_start3A_92 : memref<1x64x128xf32, #tpu.memory_space<vmem>> -> memref<64x128xf32, #tpu.memory_space<vmem>>
      %dma_start3A_94 = arith.constant 0 : i32
      %dma_start3A_95 = tpu.memref_slice %arg7[%multiple_of3A_50, %dma_start3A_94] : memref<10000x128xf32, #tpu.memory_space<vmem_shared>> -> memref<64x128xf32, #tpu.memory_space<vmem_shared>>
      %dma_start3A_96 = arith.constant 0 : i32
      %dma_start3A_97 = tpu.memref_slice %arg7[%multiple_of3A_50, %dma_start3A_96] : memref<10000x128xf32, #tpu.memory_space<vmem_shared>> -> memref<64x128xf32, #tpu.memory_space<vmem_shared>>
      %dma_start3A_98 = arith.constant 0 : i32
      %dma_start3A_99 = arith.constant 0 : i32
      %dma_start3A_100 = tpu.memref_slice %arg6[%run_scoped3A_51, %dma_start3A_98, %dma_start3A_99] : memref<2x80x128xf32, #tpu.memory_space<vmem>> -> memref<1x64x128xf32, #tpu.memory_space<vmem>>
      %dma_start3A_101 = tpu.memref_squeeze %dma_start3A_100 : memref<1x64x128xf32, #tpu.memory_space<vmem>> -> memref<64x128xf32, #tpu.memory_space<vmem>>
      tpu.enqueue_dma source(%dma_start3A_101 : memref<64x128xf32, #tpu.memory_space<vmem>>) target(%dma_start3A_97 : memref<64x128xf32, #tpu.memory_space<vmem_shared>>) target_semaphore(%run_scoped3A_89 : memref<!tpu.dma_semaphore, #tpu.memory_space<semaphore_mem>>)
      %dma_wait3A = arith.constant 0 : i32
      %dma_wait3A_102 = arith.constant 0 : i32
      %dma_wait3A_103 = tpu.memref_slice %arg6[%run_scoped3A_51, %dma_wait3A, %dma_wait3A_102] : memref<2x80x128xf32, #tpu.memory_space<vmem>> -> memref<1x64x128xf32, #tpu.memory_space<vmem>>
      %dma_wait3A_104 = tpu.memref_squeeze %dma_wait3A_103 : memref<1x64x128xf32, #tpu.memory_space<vmem>> -> memref<64x128xf32, #tpu.memory_space<vmem>>
      %dma_wait3A_105 = arith.constant 0 : i32
      %dma_wait3A_106 = tpu.memref_slice %arg7[%multiple_of3A_50, %dma_wait3A_105] : memref<10000x128xf32, #tpu.memory_space<vmem_shared>> -> memref<64x128xf32, #tpu.memory_space<vmem_shared>>
      %dma_wait3A_107 = arith.constant 0 : i32
      %dma_wait3A_108 = tpu.memref_slice %arg7[%multiple_of3A_50, %dma_wait3A_107] : memref<10000x128xf32, #tpu.memory_space<vmem_shared>> -> memref<64x128xf32, #tpu.memory_space<vmem_shared>>
      %dma_wait3A_109 = arith.constant 0 : i32
      %dma_wait3A_110 = arith.constant 0 : i32
      %dma_wait3A_111 = tpu.memref_slice %arg6[%run_scoped3A_51, %dma_wait3A_109, %dma_wait3A_110] : memref<2x80x128xf32, #tpu.memory_space<vmem>> -> memref<1x64x128xf32, #tpu.memory_space<vmem>>
      %dma_wait3A_112 = tpu.memref_squeeze %dma_wait3A_111 : memref<1x64x128xf32, #tpu.memory_space<vmem>> -> memref<64x128xf32, #tpu.memory_space<vmem>>
      tpu.wait_dma2 semaphore(%run_scoped3A_89 : memref<!tpu.dma_semaphore, #tpu.memory_space<semaphore_mem>>) src(%dma_wait3A_112 : memref<64x128xf32, #tpu.memory_space<vmem>>) dst(%dma_wait3A_108 : memref<64x128xf32, #tpu.memory_space<vmem_shared>>)
      tpu.yield
    }) : () -> ()
    %eq3A = arith.constant 15 : i32
    %eq3A_52 = arith.cmpi eq, %arg1, %eq3A : i32
    %convert_element_type3A = arith.extui %eq3A_52 : i1 to i32
    %cond3A = arith.constant 0 : i32
    %cond3A_53 = arith.cmpi ne, %convert_element_type3A, %cond3A : i32
    scf.if %cond3A_53 {
      %run_scoped3A_89 = arith.constant 0 : i32
      "tpu.region"() ({
        %run_scoped3A_90 = tpu.sem_alloc : memref<!tpu.dma_semaphore, #tpu.memory_space<semaphore_mem>>
        %dma_start3A_91 = arith.constant 0 : i32
        %dma_start3A_92 = arith.constant 0 : i32
        %dma_start3A_93 = tpu.memref_slice %arg6[%run_scoped3A_89, %dma_start3A_91, %dma_start3A_92] : memref<2x80x128xf32, #tpu.memory_space<vmem>> -> memref<1x16x128xf32, #tpu.memory_space<vmem>>
        %dma_start3A_94 = tpu.memref_squeeze %dma_start3A_93 : memref<1x16x128xf32, #tpu.memory_space<vmem>> -> memref<16x128xf32, #tpu.memory_space<vmem>>
        %dma_start3A_95 = arith.constant 9984 : i32
        %dma_start3A_96 = arith.constant 0 : i32
        %dma_start3A_97 = tpu.memref_slice %arg7[%dma_start3A_95, %dma_start3A_96] : memref<10000x128xf32, #tpu.memory_space<vmem_shared>> -> memref<16x128xf32, #tpu.memory_space<vmem_shared>>
        %dma_start3A_98 = arith.constant 9984 : i32
        %dma_start3A_99 = arith.constant 0 : i32
        %dma_start3A_100 = tpu.memref_slice %arg7[%dma_start3A_98, %dma_start3A_99] : memref<10000x128xf32, #tpu.memory_space<vmem_shared>> -> memref<16x128xf32, #tpu.memory_space<vmem_shared>>
        %dma_start3A_101 = arith.constant 0 : i32
        %dma_start3A_102 = arith.constant 0 : i32
        %dma_start3A_103 = tpu.memref_slice %arg6[%run_scoped3A_89, %dma_start3A_101, %dma_start3A_102] : memref<2x80x128xf32, #tpu.memory_space<vmem>> -> memref<1x16x128xf32, #tpu.memory_space<vmem>>
        %dma_start3A_104 = tpu.memref_squeeze %dma_start3A_103 : memref<1x16x128xf32, #tpu.memory_space<vmem>> -> memref<16x128xf32, #tpu.memory_space<vmem>>
        tpu.enqueue_dma source(%dma_start3A_104 : memref<16x128xf32, #tpu.memory_space<vmem>>) target(%dma_start3A_100 : memref<16x128xf32, #tpu.memory_space<vmem_shared>>) target_semaphore(%run_scoped3A_90 : memref<!tpu.dma_semaphore, #tpu.memory_space<semaphore_mem>>)
        %dma_wait3A = arith.constant 0 : i32
        %dma_wait3A_105 = arith.constant 0 : i32
        %dma_wait3A_106 = tpu.memref_slice %arg6[%run_scoped3A_89, %dma_wait3A, %dma_wait3A_105] : memref<2x80x128xf32, #tpu.memory_space<vmem>> -> memref<1x16x128xf32, #tpu.memory_space<vmem>>
        %dma_wait3A_107 = tpu.memref_squeeze %dma_wait3A_106 : memref<1x16x128xf32, #tpu.memory_space<vmem>> -> memref<16x128xf32, #tpu.memory_space<vmem>>
        %dma_wait3A_108 = arith.constant 9984 : i32
        %dma_wait3A_109 = arith.constant 0 : i32
        %dma_wait3A_110 = tpu.memref_slice %arg7[%dma_wait3A_108, %dma_wait3A_109] : memref<10000x128xf32, #tpu.memory_space<vmem_shared>> -> memref<16x128xf32, #tpu.memory_space<vmem_shared>>
        %dma_wait3A_111 = arith.constant 9984 : i32
        %dma_wait3A_112 = arith.constant 0 : i32
        %dma_wait3A_113 = tpu.memref_slice %arg7[%dma_wait3A_111, %dma_wait3A_112] : memref<10000x128xf32, #tpu.memory_space<vmem_shared>> -> memref<16x128xf32, #tpu.memory_space<vmem_shared>>
        %dma_wait3A_114 = arith.constant 0 : i32
        %dma_wait3A_115 = arith.constant 0 : i32
        %dma_wait3A_116 = tpu.memref_slice %arg6[%run_scoped3A_89, %dma_wait3A_114, %dma_wait3A_115] : memref<2x80x128xf32, #tpu.memory_space<vmem>> -> memref<1x16x128xf32, #tpu.memory_space<vmem>>
        %dma_wait3A_117 = tpu.memref_squeeze %dma_wait3A_116 : memref<1x16x128xf32, #tpu.memory_space<vmem>> -> memref<16x128xf32, #tpu.memory_space<vmem>>
        tpu.wait_dma2 semaphore(%run_scoped3A_90 : memref<!tpu.dma_semaphore, #tpu.memory_space<semaphore_mem>>) src(%dma_wait3A_117 : memref<16x128xf32, #tpu.memory_space<vmem>>) dst(%dma_wait3A_113 : memref<16x128xf32, #tpu.memory_space<vmem_shared>>)
        tpu.yield
      }) : () -> ()
    } else {
    }
    %barrier3A = arith.constant 0 : index
    tpu.barrier barrier_id(%barrier3A)
    "tpu.region"() ({
      %run_scoped3A_89 = tpu.sem_alloc : memref<!tpu.dma_semaphore, #tpu.memory_space<semaphore_mem>>
      %dma_start3A_90 = arith.constant 0 : i32
      %dma_start3A_91 = arith.constant 0 : i32
      %dma_start3A_92 = tpu.memref_slice %arg3[%add3A, %dma_start3A_90, %dma_start3A_91] : memref<32x125x80xi32, #tpu.memory_space<hbm>> -> memref<1x125x80xi32, #tpu.memory_space<hbm>>
      %dma_start3A_93 = tpu.memref_squeeze %dma_start3A_92 : memref<1x125x80xi32, #tpu.memory_space<hbm>> -> memref<125x80xi32, #tpu.memory_space<hbm>>
      %dma_start3A_94 = arith.constant 0 : i32
      %dma_start3A_95 = arith.constant 0 : i32
      %dma_start3A_96 = tpu.memref_slice %arg3[%add3A, %dma_start3A_94, %dma_start3A_95] : memref<32x125x80xi32, #tpu.memory_space<hbm>> -> memref<1x125x80xi32, #tpu.memory_space<hbm>>
      %dma_start3A_97 = tpu.memref_squeeze %dma_start3A_96 : memref<1x125x80xi32, #tpu.memory_space<hbm>> -> memref<125x80xi32, #tpu.memory_space<hbm>>
      tpu.enqueue_dma source(%dma_start3A_97 : memref<125x80xi32, #tpu.memory_space<hbm>>) target(%arg5 : memref<125x80xi32, #tpu.memory_space<vmem>>) target_semaphore(%run_scoped3A_89 : memref<!tpu.dma_semaphore, #tpu.memory_space<semaphore_mem>>)
      %dma_wait3A = arith.constant 0 : i32
      %dma_wait3A_98 = arith.constant 0 : i32
      %dma_wait3A_99 = tpu.memref_slice %arg3[%add3A, %dma_wait3A, %dma_wait3A_98] : memref<32x125x80xi32, #tpu.memory_space<hbm>> -> memref<1x125x80xi32, #tpu.memory_space<hbm>>
      %dma_wait3A_100 = tpu.memref_squeeze %dma_wait3A_99 : memref<1x125x80xi32, #tpu.memory_space<hbm>> -> memref<125x80xi32, #tpu.memory_space<hbm>>
      %dma_wait3A_101 = arith.constant 0 : i32
      %dma_wait3A_102 = arith.constant 0 : i32
      %dma_wait3A_103 = tpu.memref_slice %arg3[%add3A, %dma_wait3A_101, %dma_wait3A_102] : memref<32x125x80xi32, #tpu.memory_space<hbm>> -> memref<1x125x80xi32, #tpu.memory_space<hbm>>
      %dma_wait3A_104 = tpu.memref_squeeze %dma_wait3A_103 : memref<1x125x80xi32, #tpu.memory_space<hbm>> -> memref<125x80xi32, #tpu.memory_space<hbm>>
      tpu.wait_dma2 semaphore(%run_scoped3A_89 : memref<!tpu.dma_semaphore, #tpu.memory_space<semaphore_mem>>) src(%dma_wait3A_104 : memref<125x80xi32, #tpu.memory_space<hbm>>) dst(%arg5 : memref<125x80xi32, #tpu.memory_space<vmem>>)
      tpu.yield
    }) : () -> ()
    %mul3A_54 = arith.constant 10000 : i32
    %mul3A_55 = arith.muli %add3A, %mul3A_54 : i32
    %add3A_56 = arith.constant 0 : i32
    %add3A_57 = arith.addi %mul3A_55, %add3A_56 : i32
    %multiple_of3A_58 = tpu.assume_multiple %add3A_57, 8 : i32
    %dma_start3A = arith.constant 0 : i32
    %dma_start3A_59 = arith.constant 0 : i32
    %dma_start3A_60 = arith.constant 0 : i32
    %dma_start3A_61 = arith.constant 0 : i32
    %dma_start3A_62 = tpu.memref_slice %arg6[%dma_start3A, %dma_start3A_60, %dma_start3A_61] : memref<2x80x128xf32, #tpu.memory_space<vmem>> -> memref<1x80x128xf32, #tpu.memory_space<vmem>>
    %dma_start3A_63 = tpu.memref_squeeze %dma_start3A_62 : memref<1x80x128xf32, #tpu.memory_space<vmem>> -> memref<80x128xf32, #tpu.memory_space<vmem>>
    %dma_start3A_64 = arith.constant 0 : i32
    %dma_start3A_65 = tpu.memref_slice %arg2[%multiple_of3A_58, %dma_start3A_64] : memref<320000x128xf32, #tpu.memory_space<hbm>> -> memref<80x128xf32, #tpu.memory_space<hbm>>
    %dma_start3A_66 = tpu.memref_slice %arg8[%dma_start3A_59] : memref<2x!tpu.dma_semaphore, #tpu.memory_space<semaphore_mem>> -> memref<1x!tpu.dma_semaphore, #tpu.memory_space<semaphore_mem>>
    %dma_start3A_67 = tpu.memref_squeeze %dma_start3A_66 : memref<1x!tpu.dma_semaphore, #tpu.memory_space<semaphore_mem>> -> memref<!tpu.dma_semaphore, #tpu.memory_space<semaphore_mem>>
    %dma_start3A_68 = arith.constant 0 : i32
    %dma_start3A_69 = arith.constant 0 : i32
    %dma_start3A_70 = tpu.memref_slice %arg6[%dma_start3A, %dma_start3A_68, %dma_start3A_69] : memref<2x80x128xf32, #tpu.memory_space<vmem>> -> memref<1x80x128xf32, #tpu.memory_space<vmem>>
    %dma_start3A_71 = tpu.memref_squeeze %dma_start3A_70 : memref<1x80x128xf32, #tpu.memory_space<vmem>> -> memref<80x128xf32, #tpu.memory_space<vmem>>
    %dma_start3A_72 = arith.constant 0 : i32
    %dma_start3A_73 = tpu.memref_slice %arg2[%multiple_of3A_58, %dma_start3A_72] : memref<320000x128xf32, #tpu.memory_space<hbm>> -> memref<80x128xf32, #tpu.memory_space<hbm>>
    tpu.enqueue_dma source(%dma_start3A_73 : memref<80x128xf32, #tpu.memory_space<hbm>>) target(%dma_start3A_71 : memref<80x128xf32, #tpu.memory_space<vmem>>) target_semaphore(%dma_start3A_67 : memref<!tpu.dma_semaphore, #tpu.memory_space<semaphore_mem>>)
    %scan3A_74 = arith.constant 0 : i32
    %scan3A_75 = arith.constant 0 : i32
    %scan3A_76 = arith.constant 125 : i32
    %scan3A_77 = arith.addi %scan3A_75, %scan3A_76 : i32
    %scan3A_78 = arith.constant 1 : i32
    scf.for %scan3A_89 = %scan3A_75 to %scan3A_77 step %scan3A_78  : i32 {
      %jit3A = arith.constant 2 : i32
      %eq3A_90 = arith.constant 0 : i32
      %eq3A_91 = arith.cmpi eq, %jit3A, %eq3A_90 : i32
      %jit3A_92 = arith.constant 1 : i32
      %select_n3A = arith.select %eq3A_91, %jit3A_92, %jit3A : i32
      %rem3A = arith.remsi %scan3A_89, %select_n3A : i32
      %ne3A = arith.constant 0 : i32
      %ne3A_93 = arith.cmpi ne, %rem3A, %ne3A : i32
      %lt3A = arith.constant 0 : i32
      %lt3A_94 = arith.cmpi slt, %rem3A, %lt3A : i32
      %lt3A_95 = arith.constant 0 : i32
      %lt3A_96 = arith.cmpi slt, %select_n3A, %lt3A_95 : i32
      %ne3A_97 = arith.xori %lt3A_94, %lt3A_96 : i1
      %and3A = arith.andi %ne3A_97, %ne3A_93 : i1
      %add3A_98 = arith.addi %rem3A, %select_n3A : i32
      %select_n3A_99 = arith.select %and3A, %add3A_98, %rem3A : i32
      %dma_wait3A = arith.constant 0 : i32
      %dma_wait3A_100 = arith.constant 0 : i32
      %dma_wait3A_101 = tpu.memref_slice %arg6[%select_n3A_99, %dma_wait3A, %dma_wait3A_100] : memref<2x80x128xf32, #tpu.memory_space<vmem>> -> memref<1x80x128xf32, #tpu.memory_space<vmem>>
      %dma_wait3A_102 = tpu.memref_squeeze %dma_wait3A_101 : memref<1x80x128xf32, #tpu.memory_space<vmem>> -> memref<80x128xf32, #tpu.memory_space<vmem>>
      %dma_wait3A_103 = arith.constant 0 : i32
      %dma_wait3A_104 = arith.constant 0 : i32
      %dma_wait3A_105 = tpu.memref_slice %arg2[%dma_wait3A_103, %dma_wait3A_104] : memref<320000x128xf32, #tpu.memory_space<hbm>> -> memref<80x128xf32, #tpu.memory_space<hbm>>
      %dma_wait3A_106 = tpu.memref_slice %arg8[%select_n3A_99] : memref<2x!tpu.dma_semaphore, #tpu.memory_space<semaphore_mem>> -> memref<1x!tpu.dma_semaphore, #tpu.memory_space<semaphore_mem>>
      %dma_wait3A_107 = tpu.memref_squeeze %dma_wait3A_106 : memref<1x!tpu.dma_semaphore, #tpu.memory_space<semaphore_mem>> -> memref<!tpu.dma_semaphore, #tpu.memory_space<semaphore_mem>>
      %dma_wait3A_108 = arith.constant 0 : i32
      %dma_wait3A_109 = arith.constant 0 : i32
      %dma_wait3A_110 = tpu.memref_slice %arg6[%select_n3A_99, %dma_wait3A_108, %dma_wait3A_109] : memref<2x80x128xf32, #tpu.memory_space<vmem>> -> memref<1x80x128xf32, #tpu.memory_space<vmem>>
      %dma_wait3A_111 = tpu.memref_squeeze %dma_wait3A_110 : memref<1x80x128xf32, #tpu.memory_space<vmem>> -> memref<80x128xf32, #tpu.memory_space<vmem>>
      %dma_wait3A_112 = arith.constant 0 : i32
      %dma_wait3A_113 = arith.constant 0 : i32
      %dma_wait3A_114 = tpu.memref_slice %arg2[%dma_wait3A_112, %dma_wait3A_113] : memref<320000x128xf32, #tpu.memory_space<hbm>> -> memref<80x128xf32, #tpu.memory_space<hbm>>
      tpu.wait_dma2 semaphore(%dma_wait3A_107 : memref<!tpu.dma_semaphore, #tpu.memory_space<semaphore_mem>>) src(%dma_wait3A_114 : memref<80x128xf32, #tpu.memory_space<hbm>>) dst(%dma_wait3A_111 : memref<80x128xf32, #tpu.memory_space<vmem>>)
      %add3A_115 = arith.constant 1 : i32
      %add3A_116 = arith.addi %scan3A_89, %add3A_115 : i32
      %lt3A_117 = arith.constant 125 : i32
      %lt3A_118 = arith.cmpi slt, %add3A_116, %lt3A_117 : i32
      %convert_element_type3A_119 = arith.extui %lt3A_118 : i1 to i32
      %cond3A_120 = arith.constant 0 : i32
      %cond3A_121 = arith.cmpi ne, %convert_element_type3A_119, %cond3A_120 : i32
      scf.if %cond3A_121 {
        %add3A_122 = arith.constant 1 : i32
        %add3A_123 = arith.addi %scan3A_89, %add3A_122 : i32
        %add3A_124 = arith.constant 1 : i32
        %add3A_125 = arith.addi %scan3A_89, %add3A_124 : i32
        %jit3A_126 = arith.constant 2 : i32
        %eq3A_127 = arith.constant 0 : i32
        %eq3A_128 = arith.cmpi eq, %jit3A_126, %eq3A_127 : i32
        %jit3A_129 = arith.constant 1 : i32
        %select_n3A_130 = arith.select %eq3A_128, %jit3A_129, %jit3A_126 : i32
        %rem3A_131 = arith.remsi %add3A_125, %select_n3A_130 : i32
        %ne3A_132 = arith.constant 0 : i32
        %ne3A_133 = arith.cmpi ne, %rem3A_131, %ne3A_132 : i32
        %lt3A_134 = arith.constant 0 : i32
        %lt3A_135 = arith.cmpi slt, %rem3A_131, %lt3A_134 : i32
        %lt3A_136 = arith.constant 0 : i32
        %lt3A_137 = arith.cmpi slt, %select_n3A_130, %lt3A_136 : i32
        %ne3A_138 = arith.xori %lt3A_135, %lt3A_137 : i1
        %and3A_139 = arith.andi %ne3A_138, %ne3A_133 : i1
        %add3A_140 = arith.addi %rem3A_131, %select_n3A_130 : i32
        %select_n3A_141 = arith.select %and3A_139, %add3A_140, %rem3A_131 : i32
        %mul3A_142 = arith.constant 10000 : i32
        %mul3A_143 = arith.muli %add3A, %mul3A_142 : i32
        %mul3A_144 = arith.constant 80 : i32
        %mul3A_145 = arith.muli %add3A_123, %mul3A_144 : i32
        %add3A_146 = arith.addi %mul3A_143, %mul3A_145 : i32
        %multiple_of3A_147 = tpu.assume_multiple %add3A_146, 8 : i32
        %dma_start3A_148 = arith.constant 0 : i32
        %dma_start3A_149 = arith.constant 0 : i32
        %dma_start3A_150 = tpu.memref_slice %arg6[%select_n3A_141, %dma_start3A_148, %dma_start3A_149] : memref<2x80x128xf32, #tpu.memory_space<vmem>> -> memref<1x80x128xf32, #tpu.memory_space<vmem>>
        %dma_start3A_151 = tpu.memref_squeeze %dma_start3A_150 : memref<1x80x128xf32, #tpu.memory_space<vmem>> -> memref<80x128xf32, #tpu.memory_space<vmem>>
        %dma_start3A_152 = arith.constant 0 : i32
        %dma_start3A_153 = tpu.memref_slice %arg2[%multiple_of3A_147, %dma_start3A_152] : memref<320000x128xf32, #tpu.memory_space<hbm>> -> memref<80x128xf32, #tpu.memory_space<hbm>>
        %dma_start3A_154 = tpu.memref_slice %arg8[%select_n3A_141] : memref<2x!tpu.dma_semaphore, #tpu.memory_space<semaphore_mem>> -> memref<1x!tpu.dma_semaphore, #tpu.memory_space<semaphore_mem>>
        %dma_start3A_155 = tpu.memref_squeeze %dma_start3A_154 : memref<1x!tpu.dma_semaphore, #tpu.memory_space<semaphore_mem>> -> memref<!tpu.dma_semaphore, #tpu.memory_space<semaphore_mem>>
        %dma_start3A_156 = arith.constant 0 : i32
        %dma_start3A_157 = arith.constant 0 : i32
        %dma_start3A_158 = tpu.memref_slice %arg6[%select_n3A_141, %dma_start3A_156, %dma_start3A_157] : memref<2x80x128xf32, #tpu.memory_space<vmem>> -> memref<1x80x128xf32, #tpu.memory_space<vmem>>
        %dma_start3A_159 = tpu.memref_squeeze %dma_start3A_158 : memref<1x80x128xf32, #tpu.memory_space<vmem>> -> memref<80x128xf32, #tpu.memory_space<vmem>>
        %dma_start3A_160 = arith.constant 0 : i32
        %dma_start3A_161 = tpu.memref_slice %arg2[%multiple_of3A_147, %dma_start3A_160] : memref<320000x128xf32, #tpu.memory_space<hbm>> -> memref<80x128xf32, #tpu.memory_space<hbm>>
        tpu.enqueue_dma source(%dma_start3A_161 : memref<80x128xf32, #tpu.memory_space<hbm>>) target(%dma_start3A_159 : memref<80x128xf32, #tpu.memory_space<vmem>>) target_semaphore(%dma_start3A_155 : memref<!tpu.dma_semaphore, #tpu.memory_space<semaphore_mem>>)
      } else {
      }
      "tpu.region"() ({
        %run_scoped3A_122 = tpu.sem_alloc : memref<!tpu.dma_semaphore, #tpu.memory_space<semaphore_mem>>
        %dma_start3A_123 = arith.constant 0 : i32
        %dma_start3A_124 = arith.constant 0 : i32
        %dma_start3A_125 = tpu.memref_slice %arg6[%select_n3A_99, %dma_start3A_123, %dma_start3A_124] : memref<2x80x128xf32, #tpu.memory_space<vmem>> -> memref<1x80x128xf32, #tpu.memory_space<vmem>>
        %dma_start3A_126 = tpu.memref_squeeze %dma_start3A_125 : memref<1x80x128xf32, #tpu.memory_space<vmem>> -> memref<80x128xf32, #tpu.memory_space<vmem>>
        %dma_start3A_127 = arith.constant 0 : i32
        %dma_start3A_128 = tpu.memref_slice %arg5[%scan3A_89, %dma_start3A_127] : memref<125x80xi32, #tpu.memory_space<vmem>> -> memref<1x80xi32, #tpu.memory_space<vmem>>
        %dma_start3A_129 = tpu.memref_squeeze %dma_start3A_128 : memref<1x80xi32, #tpu.memory_space<vmem>> -> memref<80xi32, #tpu.memory_space<vmem>>
        %dma_start3A_130 = arith.constant 0 : i32
        %dma_start3A_131 = arith.constant 0 : i32
        %dma_start3A_132 = tpu.memref_slice %arg7[%dma_start3A_130, %dma_start3A_131] : memref<10000x128xf32, #tpu.memory_space<vmem_shared>> -> memref<10000x128xf32, #tpu.memory_space<vmem_shared>>
        tpu.enqueue_indirect_dma source(%dma_start3A_126 : memref<80x128xf32, #tpu.memory_space<vmem>>) target(%dma_start3A_132 : memref<10000x128xf32, #tpu.memory_space<vmem_shared>>) offsets(%dma_start3A_129 : memref<80xi32, #tpu.memory_space<vmem>>) semaphore(%run_scoped3A_122 : memref<!tpu.dma_semaphore, #tpu.memory_space<semaphore_mem>>) {add = true}
        %dma_wait3A_133 = arith.constant 0 : i32
        %dma_wait3A_134 = arith.constant 0 : i32
        %dma_wait3A_135 = tpu.memref_slice %arg6[%select_n3A_99, %dma_wait3A_133, %dma_wait3A_134] : memref<2x80x128xf32, #tpu.memory_space<vmem>> -> memref<1x80x128xf32, #tpu.memory_space<vmem>>
        %dma_wait3A_136 = tpu.memref_squeeze %dma_wait3A_135 : memref<1x80x128xf32, #tpu.memory_space<vmem>> -> memref<80x128xf32, #tpu.memory_space<vmem>>
        %dma_wait3A_137 = arith.constant 0 : i32
        %dma_wait3A_138 = tpu.memref_slice %arg5[%scan3A_89, %dma_wait3A_137] : memref<125x80xi32, #tpu.memory_space<vmem>> -> memref<1x80xi32, #tpu.memory_space<vmem>>
        %dma_wait3A_139 = tpu.memref_squeeze %dma_wait3A_138 : memref<1x80xi32, #tpu.memory_space<vmem>> -> memref<80xi32, #tpu.memory_space<vmem>>
        %dma_wait3A_140 = arith.constant 0 : i32
        %dma_wait3A_141 = arith.constant 0 : i32
        %dma_wait3A_142 = tpu.memref_slice %arg7[%dma_wait3A_140, %dma_wait3A_141] : memref<10000x128xf32, #tpu.memory_space<vmem_shared>> -> memref<10000x128xf32, #tpu.memory_space<vmem_shared>>
        tpu.wait_indirect_dma semaphore(%run_scoped3A_122 : memref<!tpu.dma_semaphore, #tpu.memory_space<semaphore_mem>>) src(%dma_wait3A_136 : memref<80x128xf32, #tpu.memory_space<vmem>>) dst(%dma_wait3A_142 : memref<10000x128xf32, #tpu.memory_space<vmem_shared>>)
        tpu.yield
      }) : () -> ()
    }
    %scan3A_79 = arith.constant 125 : i32
    %barrier3A_80 = arith.constant 0 : index
    tpu.barrier barrier_id(%barrier3A_80)
    %mul3A_81 = arith.constant 624 : i32
    %mul3A_82 = arith.muli %arg1, %mul3A_81 : i32
    %multiple_of3A_83 = tpu.assume_multiple %mul3A_82, 8 : i32
    "tpu.region"() ({
      %run_scoped3A_89 = tpu.sem_alloc : memref<!tpu.dma_semaphore, #tpu.memory_space<semaphore_mem>>
      %dma_start3A_90 = arith.constant 0 : i32
      %dma_start3A_91 = tpu.memref_slice %arg4[%arg0, %multiple_of3A_83, %dma_start3A_90] : memref<2x10000x128xf32, #tpu.memory_space<hbm>> -> memref<1x624x128xf32, #tpu.memory_space<hbm>>
      %dma_start3A_92 = tpu.memref_squeeze %dma_start3A_91 : memref<1x624x128xf32, #tpu.memory_space<hbm>> -> memref<624x128xf32, #tpu.memory_space<hbm>>
      %dma_start3A_93 = arith.constant 0 : i32
      %dma_start3A_94 = tpu.memref_slice %arg7[%multiple_of3A_83, %dma_start3A_93] : memref<10000x128xf32, #tpu.memory_space<vmem_shared>> -> memref<624x128xf32, #tpu.memory_space<vmem_shared>>
      tpu.enqueue_dma source(%dma_start3A_94 : memref<624x128xf32, #tpu.memory_space<vmem_shared>>) target(%dma_start3A_92 : memref<624x128xf32, #tpu.memory_space<hbm>>) target_semaphore(%run_scoped3A_89 : memref<!tpu.dma_semaphore, #tpu.memory_space<semaphore_mem>>)
      %dma_wait3A = arith.constant 0 : i32
      %dma_wait3A_95 = tpu.memref_slice %arg4[%arg0, %multiple_of3A_83, %dma_wait3A] : memref<2x10000x128xf32, #tpu.memory_space<hbm>> -> memref<1x624x128xf32, #tpu.memory_space<hbm>>
      %dma_wait3A_96 = tpu.memref_squeeze %dma_wait3A_95 : memref<1x624x128xf32, #tpu.memory_space<hbm>> -> memref<624x128xf32, #tpu.memory_space<hbm>>
      %dma_wait3A_97 = arith.constant 0 : i32
      %dma_wait3A_98 = tpu.memref_slice %arg7[%multiple_of3A_83, %dma_wait3A_97] : memref<10000x128xf32, #tpu.memory_space<vmem_shared>> -> memref<624x128xf32, #tpu.memory_space<vmem_shared>>
      tpu.wait_dma2 semaphore(%run_scoped3A_89 : memref<!tpu.dma_semaphore, #tpu.memory_space<semaphore_mem>>) src(%dma_wait3A_98 : memref<624x128xf32, #tpu.memory_space<vmem_shared>>) dst(%dma_wait3A_96 : memref<624x128xf32, #tpu.memory_space<hbm>>)
      tpu.yield
    }) : () -> ()
    %eq3A_84 = arith.constant 15 : i32
    %eq3A_85 = arith.cmpi eq, %arg1, %eq3A_84 : i32
    %convert_element_type3A_86 = arith.extui %eq3A_85 : i1 to i32
    %cond3A_87 = arith.constant 0 : i32
    %cond3A_88 = arith.cmpi ne, %convert_element_type3A_86, %cond3A_87 : i32
    scf.if %cond3A_88 {
      "tpu.region"() ({
        %run_scoped3A_89 = tpu.sem_alloc : memref<!tpu.dma_semaphore, #tpu.memory_space<semaphore_mem>>
        %dma_start3A_90 = arith.constant 9984 : i32
        %dma_start3A_91 = arith.constant 0 : i32
        %dma_start3A_92 = tpu.memref_slice %arg4[%arg0, %dma_start3A_90, %dma_start3A_91] : memref<2x10000x128xf32, #tpu.memory_space<hbm>> -> memref<1x16x128xf32, #tpu.memory_space<hbm>>
        %dma_start3A_93 = tpu.memref_squeeze %dma_start3A_92 : memref<1x16x128xf32, #tpu.memory_space<hbm>> -> memref<16x128xf32, #tpu.memory_space<hbm>>
        %dma_start3A_94 = arith.constant 9984 : i32
        %dma_start3A_95 = arith.constant 0 : i32
        %dma_start3A_96 = tpu.memref_slice %arg7[%dma_start3A_94, %dma_start3A_95] : memref<10000x128xf32, #tpu.memory_space<vmem_shared>> -> memref<16x128xf32, #tpu.memory_space<vmem_shared>>
        tpu.enqueue_dma source(%dma_start3A_96 : memref<16x128xf32, #tpu.memory_space<vmem_shared>>) target(%dma_start3A_93 : memref<16x128xf32, #tpu.memory_space<hbm>>) target_semaphore(%run_scoped3A_89 : memref<!tpu.dma_semaphore, #tpu.memory_space<semaphore_mem>>)
        %dma_wait3A = arith.constant 9984 : i32
        %dma_wait3A_97 = arith.constant 0 : i32
        %dma_wait3A_98 = tpu.memref_slice %arg4[%arg0, %dma_wait3A, %dma_wait3A_97] : memref<2x10000x128xf32, #tpu.memory_space<hbm>> -> memref<1x16x128xf32, #tpu.memory_space<hbm>>
        %dma_wait3A_99 = tpu.memref_squeeze %dma_wait3A_98 : memref<1x16x128xf32, #tpu.memory_space<hbm>> -> memref<16x128xf32, #tpu.memory_space<hbm>>
        %dma_wait3A_100 = arith.constant 9984 : i32
        %dma_wait3A_101 = arith.constant 0 : i32
        %dma_wait3A_102 = tpu.memref_slice %arg7[%dma_wait3A_100, %dma_wait3A_101] : memref<10000x128xf32, #tpu.memory_space<vmem_shared>> -> memref<16x128xf32, #tpu.memory_space<vmem_shared>>
        tpu.wait_dma2 semaphore(%run_scoped3A_89 : memref<!tpu.dma_semaphore, #tpu.memory_space<semaphore_mem>>) src(%dma_wait3A_102 : memref<16x128xf32, #tpu.memory_space<vmem_shared>>) dst(%dma_wait3A_99 : memref<16x128xf32, #tpu.memory_space<hbm>>)
        tpu.yield
      }) : () -> ()
    } else {
    }
    return
  }
}

#map = affine_map<(d0, d1) -> (0, 0)>
#map1 = affine_map<(d0, d1) -> (0, 0, 0)>
module attributes {stable_mosaic.version = 14 : i64} {
  func.func @_gather_body(%arg0: i32, %arg1: i32, %arg2: memref<10000x128xf32, #tpu.memory_space<hbm>>, %arg3: memref<10000x128xf32, #tpu.memory_space<hbm>>, %arg4: memref<32x250x128xi32, #tpu.memory_space<hbm>>, %arg5: memref<320000x128xf32, #tpu.memory_space<hbm>>, %arg6: memref<320000x128xf32, #tpu.memory_space<hbm>>, %arg7: memref<250x128xi32, #tpu.memory_space<vmem>>, %arg8: memref<4x80x128xf32, #tpu.memory_space<vmem>>, %arg9: memref<4x80x128xf32, #tpu.memory_space<vmem>>, %arg10: memref<4x!tpu.dma_semaphore, #tpu.memory_space<semaphore_mem>>, %arg11: memref<4x!tpu.dma_semaphore, #tpu.memory_space<semaphore_mem>>, %arg12: memref<4x!tpu.dma_semaphore, #tpu.memory_space<semaphore_mem>>, %arg13: memref<4x!tpu.dma_semaphore, #tpu.memory_space<semaphore_mem>>) attributes {dimension_semantics = [#tpu.dimension_semantics<core_parallel>, #tpu.dimension_semantics<subcore_parallel>], iteration_bounds = array<i64: 2, 16>, scalar_prefetch = 0 : i64, scratch_operands = 7 : i64, tpu.core_type = #tpu.core_type<sc_vector_subcore>, window_params = [{transform_indices = #map}, {transform_indices = #map}, {transform_indices = #map1}, {transform_indices = #map}, {transform_indices = #map}]} {
    %mul3A = arith.constant 2 : i32
    %mul3A_0 = arith.muli %arg1, %mul3A : i32
    %add3A = arith.addi %mul3A_0, %arg0 : i32
    "tpu.region"() ({
      %run_scoped3A = tpu.sem_alloc : memref<!tpu.dma_semaphore, #tpu.memory_space<semaphore_mem>>
      %dma_start3A_238 = arith.constant 0 : i32
      %dma_start3A_239 = arith.constant 0 : i32
      %dma_start3A_240 = tpu.memref_slice %arg4[%add3A, %dma_start3A_238, %dma_start3A_239] : memref<32x250x128xi32, #tpu.memory_space<hbm>> -> memref<1x250x128xi32, #tpu.memory_space<hbm>>
      %dma_start3A_241 = tpu.memref_squeeze %dma_start3A_240 : memref<1x250x128xi32, #tpu.memory_space<hbm>> -> memref<250x128xi32, #tpu.memory_space<hbm>>
      %dma_start3A_242 = arith.constant 0 : i32
      %dma_start3A_243 = arith.constant 0 : i32
      %dma_start3A_244 = tpu.memref_slice %arg4[%add3A, %dma_start3A_242, %dma_start3A_243] : memref<32x250x128xi32, #tpu.memory_space<hbm>> -> memref<1x250x128xi32, #tpu.memory_space<hbm>>
      %dma_start3A_245 = tpu.memref_squeeze %dma_start3A_244 : memref<1x250x128xi32, #tpu.memory_space<hbm>> -> memref<250x128xi32, #tpu.memory_space<hbm>>
      tpu.enqueue_dma source(%dma_start3A_245 : memref<250x128xi32, #tpu.memory_space<hbm>>) target(%arg7 : memref<250x128xi32, #tpu.memory_space<vmem>>) target_semaphore(%run_scoped3A : memref<!tpu.dma_semaphore, #tpu.memory_space<semaphore_mem>>)
      %dma_wait3A_246 = arith.constant 0 : i32
      %dma_wait3A_247 = arith.constant 0 : i32
      %dma_wait3A_248 = tpu.memref_slice %arg4[%add3A, %dma_wait3A_246, %dma_wait3A_247] : memref<32x250x128xi32, #tpu.memory_space<hbm>> -> memref<1x250x128xi32, #tpu.memory_space<hbm>>
      %dma_wait3A_249 = tpu.memref_squeeze %dma_wait3A_248 : memref<1x250x128xi32, #tpu.memory_space<hbm>> -> memref<250x128xi32, #tpu.memory_space<hbm>>
      %dma_wait3A_250 = arith.constant 0 : i32
      %dma_wait3A_251 = arith.constant 0 : i32
      %dma_wait3A_252 = tpu.memref_slice %arg4[%add3A, %dma_wait3A_250, %dma_wait3A_251] : memref<32x250x128xi32, #tpu.memory_space<hbm>> -> memref<1x250x128xi32, #tpu.memory_space<hbm>>
      %dma_wait3A_253 = tpu.memref_squeeze %dma_wait3A_252 : memref<1x250x128xi32, #tpu.memory_space<hbm>> -> memref<250x128xi32, #tpu.memory_space<hbm>>
      tpu.wait_dma2 semaphore(%run_scoped3A : memref<!tpu.dma_semaphore, #tpu.memory_space<semaphore_mem>>) src(%dma_wait3A_253 : memref<250x128xi32, #tpu.memory_space<hbm>>) dst(%arg7 : memref<250x128xi32, #tpu.memory_space<vmem>>)
      tpu.yield
    }) : () -> ()
    %dma_start3A = arith.constant 0 : i32
    %dma_start3A_1 = arith.constant 0 : i32
    %dma_start3A_2 = arith.constant 0 : i32
    %dma_start3A_3 = arith.constant 0 : i32
    %dma_start3A_4 = arith.constant 0 : i32
    %dma_start3A_5 = tpu.memref_slice %arg8[%dma_start3A_1, %dma_start3A_3, %dma_start3A_4] : memref<4x80x128xf32, #tpu.memory_space<vmem>> -> memref<1x80x128xf32, #tpu.memory_space<vmem>>
    %dma_start3A_6 = tpu.memref_squeeze %dma_start3A_5 : memref<1x80x128xf32, #tpu.memory_space<vmem>> -> memref<80x128xf32, #tpu.memory_space<vmem>>
    %dma_start3A_7 = arith.constant 0 : i32
    %dma_start3A_8 = tpu.memref_slice %arg7[%dma_start3A, %dma_start3A_7] : memref<250x128xi32, #tpu.memory_space<vmem>> -> memref<1x80xi32, #tpu.memory_space<vmem>>
    %dma_start3A_9 = tpu.memref_squeeze %dma_start3A_8 : memref<1x80xi32, #tpu.memory_space<vmem>> -> memref<80xi32, #tpu.memory_space<vmem>>
    %dma_start3A_10 = arith.constant 0 : i32
    %dma_start3A_11 = arith.constant 0 : i32
    %dma_start3A_12 = tpu.memref_slice %arg2[%dma_start3A_10, %dma_start3A_11] : memref<10000x128xf32, #tpu.memory_space<hbm>> -> memref<10000x128xf32, #tpu.memory_space<hbm>>
    %dma_start3A_13 = tpu.memref_slice %arg10[%dma_start3A_2] : memref<4x!tpu.dma_semaphore, #tpu.memory_space<semaphore_mem>> -> memref<1x!tpu.dma_semaphore, #tpu.memory_space<semaphore_mem>>
    %dma_start3A_14 = tpu.memref_squeeze %dma_start3A_13 : memref<1x!tpu.dma_semaphore, #tpu.memory_space<semaphore_mem>> -> memref<!tpu.dma_semaphore, #tpu.memory_space<semaphore_mem>>
    tpu.enqueue_indirect_dma source(%dma_start3A_12 : memref<10000x128xf32, #tpu.memory_space<hbm>>) target(%dma_start3A_6 : memref<80x128xf32, #tpu.memory_space<vmem>>) offsets(%dma_start3A_9 : memref<80xi32, #tpu.memory_space<vmem>>) semaphore(%dma_start3A_14 : memref<!tpu.dma_semaphore, #tpu.memory_space<semaphore_mem>>)
    %dma_start3A_15 = arith.constant 1 : i32
    %dma_start3A_16 = arith.constant 0 : i32
    %dma_start3A_17 = arith.constant 0 : i32
    %dma_start3A_18 = arith.constant 0 : i32
    %dma_start3A_19 = arith.constant 0 : i32
    %dma_start3A_20 = tpu.memref_slice %arg9[%dma_start3A_16, %dma_start3A_18, %dma_start3A_19] : memref<4x80x128xf32, #tpu.memory_space<vmem>> -> memref<1x80x128xf32, #tpu.memory_space<vmem>>
    %dma_start3A_21 = tpu.memref_squeeze %dma_start3A_20 : memref<1x80x128xf32, #tpu.memory_space<vmem>> -> memref<80x128xf32, #tpu.memory_space<vmem>>
    %dma_start3A_22 = arith.constant 0 : i32
    %dma_start3A_23 = tpu.memref_slice %arg7[%dma_start3A_15, %dma_start3A_22] : memref<250x128xi32, #tpu.memory_space<vmem>> -> memref<1x80xi32, #tpu.memory_space<vmem>>
    %dma_start3A_24 = tpu.memref_squeeze %dma_start3A_23 : memref<1x80xi32, #tpu.memory_space<vmem>> -> memref<80xi32, #tpu.memory_space<vmem>>
    %dma_start3A_25 = arith.constant 0 : i32
    %dma_start3A_26 = arith.constant 0 : i32
    %dma_start3A_27 = tpu.memref_slice %arg3[%dma_start3A_25, %dma_start3A_26] : memref<10000x128xf32, #tpu.memory_space<hbm>> -> memref<10000x128xf32, #tpu.memory_space<hbm>>
    %dma_start3A_28 = tpu.memref_slice %arg11[%dma_start3A_17] : memref<4x!tpu.dma_semaphore, #tpu.memory_space<semaphore_mem>> -> memref<1x!tpu.dma_semaphore, #tpu.memory_space<semaphore_mem>>
    %dma_start3A_29 = tpu.memref_squeeze %dma_start3A_28 : memref<1x!tpu.dma_semaphore, #tpu.memory_space<semaphore_mem>> -> memref<!tpu.dma_semaphore, #tpu.memory_space<semaphore_mem>>
    tpu.enqueue_indirect_dma source(%dma_start3A_27 : memref<10000x128xf32, #tpu.memory_space<hbm>>) target(%dma_start3A_21 : memref<80x128xf32, #tpu.memory_space<vmem>>) offsets(%dma_start3A_24 : memref<80xi32, #tpu.memory_space<vmem>>) semaphore(%dma_start3A_29 : memref<!tpu.dma_semaphore, #tpu.memory_space<semaphore_mem>>)
    %dma_start3A_30 = arith.constant 2 : i32
    %dma_start3A_31 = arith.constant 1 : i32
    %dma_start3A_32 = arith.constant 1 : i32
    %dma_start3A_33 = arith.constant 0 : i32
    %dma_start3A_34 = arith.constant 0 : i32
    %dma_start3A_35 = tpu.memref_slice %arg8[%dma_start3A_31, %dma_start3A_33, %dma_start3A_34] : memref<4x80x128xf32, #tpu.memory_space<vmem>> -> memref<1x80x128xf32, #tpu.memory_space<vmem>>
    %dma_start3A_36 = tpu.memref_squeeze %dma_start3A_35 : memref<1x80x128xf32, #tpu.memory_space<vmem>> -> memref<80x128xf32, #tpu.memory_space<vmem>>
    %dma_start3A_37 = arith.constant 0 : i32
    %dma_start3A_38 = tpu.memref_slice %arg7[%dma_start3A_30, %dma_start3A_37] : memref<250x128xi32, #tpu.memory_space<vmem>> -> memref<1x80xi32, #tpu.memory_space<vmem>>
    %dma_start3A_39 = tpu.memref_squeeze %dma_start3A_38 : memref<1x80xi32, #tpu.memory_space<vmem>> -> memref<80xi32, #tpu.memory_space<vmem>>
    %dma_start3A_40 = arith.constant 0 : i32
    %dma_start3A_41 = arith.constant 0 : i32
    %dma_start3A_42 = tpu.memref_slice %arg2[%dma_start3A_40, %dma_start3A_41] : memref<10000x128xf32, #tpu.memory_space<hbm>> -> memref<10000x128xf32, #tpu.memory_space<hbm>>
    %dma_start3A_43 = tpu.memref_slice %arg10[%dma_start3A_32] : memref<4x!tpu.dma_semaphore, #tpu.memory_space<semaphore_mem>> -> memref<1x!tpu.dma_semaphore, #tpu.memory_space<semaphore_mem>>
    %dma_start3A_44 = tpu.memref_squeeze %dma_start3A_43 : memref<1x!tpu.dma_semaphore, #tpu.memory_space<semaphore_mem>> -> memref<!tpu.dma_semaphore, #tpu.memory_space<semaphore_mem>>
    tpu.enqueue_indirect_dma source(%dma_start3A_42 : memref<10000x128xf32, #tpu.memory_space<hbm>>) target(%dma_start3A_36 : memref<80x128xf32, #tpu.memory_space<vmem>>) offsets(%dma_start3A_39 : memref<80xi32, #tpu.memory_space<vmem>>) semaphore(%dma_start3A_44 : memref<!tpu.dma_semaphore, #tpu.memory_space<semaphore_mem>>)
    %dma_start3A_45 = arith.constant 3 : i32
    %dma_start3A_46 = arith.constant 1 : i32
    %dma_start3A_47 = arith.constant 1 : i32
    %dma_start3A_48 = arith.constant 0 : i32
    %dma_start3A_49 = arith.constant 0 : i32
    %dma_start3A_50 = tpu.memref_slice %arg9[%dma_start3A_46, %dma_start3A_48, %dma_start3A_49] : memref<4x80x128xf32, #tpu.memory_space<vmem>> -> memref<1x80x128xf32, #tpu.memory_space<vmem>>
    %dma_start3A_51 = tpu.memref_squeeze %dma_start3A_50 : memref<1x80x128xf32, #tpu.memory_space<vmem>> -> memref<80x128xf32, #tpu.memory_space<vmem>>
    %dma_start3A_52 = arith.constant 0 : i32
    %dma_start3A_53 = tpu.memref_slice %arg7[%dma_start3A_45, %dma_start3A_52] : memref<250x128xi32, #tpu.memory_space<vmem>> -> memref<1x80xi32, #tpu.memory_space<vmem>>
    %dma_start3A_54 = tpu.memref_squeeze %dma_start3A_53 : memref<1x80xi32, #tpu.memory_space<vmem>> -> memref<80xi32, #tpu.memory_space<vmem>>
    %dma_start3A_55 = arith.constant 0 : i32
    %dma_start3A_56 = arith.constant 0 : i32
    %dma_start3A_57 = tpu.memref_slice %arg3[%dma_start3A_55, %dma_start3A_56] : memref<10000x128xf32, #tpu.memory_space<hbm>> -> memref<10000x128xf32, #tpu.memory_space<hbm>>
    %dma_start3A_58 = tpu.memref_slice %arg11[%dma_start3A_47] : memref<4x!tpu.dma_semaphore, #tpu.memory_space<semaphore_mem>> -> memref<1x!tpu.dma_semaphore, #tpu.memory_space<semaphore_mem>>
    %dma_start3A_59 = tpu.memref_squeeze %dma_start3A_58 : memref<1x!tpu.dma_semaphore, #tpu.memory_space<semaphore_mem>> -> memref<!tpu.dma_semaphore, #tpu.memory_space<semaphore_mem>>
    tpu.enqueue_indirect_dma source(%dma_start3A_57 : memref<10000x128xf32, #tpu.memory_space<hbm>>) target(%dma_start3A_51 : memref<80x128xf32, #tpu.memory_space<vmem>>) offsets(%dma_start3A_54 : memref<80xi32, #tpu.memory_space<vmem>>) semaphore(%dma_start3A_59 : memref<!tpu.dma_semaphore, #tpu.memory_space<semaphore_mem>>)
    %dma_start3A_60 = arith.constant 4 : i32
    %dma_start3A_61 = arith.constant 2 : i32
    %dma_start3A_62 = arith.constant 2 : i32
    %dma_start3A_63 = arith.constant 0 : i32
    %dma_start3A_64 = arith.constant 0 : i32
    %dma_start3A_65 = tpu.memref_slice %arg8[%dma_start3A_61, %dma_start3A_63, %dma_start3A_64] : memref<4x80x128xf32, #tpu.memory_space<vmem>> -> memref<1x80x128xf32, #tpu.memory_space<vmem>>
    %dma_start3A_66 = tpu.memref_squeeze %dma_start3A_65 : memref<1x80x128xf32, #tpu.memory_space<vmem>> -> memref<80x128xf32, #tpu.memory_space<vmem>>
    %dma_start3A_67 = arith.constant 0 : i32
    %dma_start3A_68 = tpu.memref_slice %arg7[%dma_start3A_60, %dma_start3A_67] : memref<250x128xi32, #tpu.memory_space<vmem>> -> memref<1x80xi32, #tpu.memory_space<vmem>>
    %dma_start3A_69 = tpu.memref_squeeze %dma_start3A_68 : memref<1x80xi32, #tpu.memory_space<vmem>> -> memref<80xi32, #tpu.memory_space<vmem>>
    %dma_start3A_70 = arith.constant 0 : i32
    %dma_start3A_71 = arith.constant 0 : i32
    %dma_start3A_72 = tpu.memref_slice %arg2[%dma_start3A_70, %dma_start3A_71] : memref<10000x128xf32, #tpu.memory_space<hbm>> -> memref<10000x128xf32, #tpu.memory_space<hbm>>
    %dma_start3A_73 = tpu.memref_slice %arg10[%dma_start3A_62] : memref<4x!tpu.dma_semaphore, #tpu.memory_space<semaphore_mem>> -> memref<1x!tpu.dma_semaphore, #tpu.memory_space<semaphore_mem>>
    %dma_start3A_74 = tpu.memref_squeeze %dma_start3A_73 : memref<1x!tpu.dma_semaphore, #tpu.memory_space<semaphore_mem>> -> memref<!tpu.dma_semaphore, #tpu.memory_space<semaphore_mem>>
    tpu.enqueue_indirect_dma source(%dma_start3A_72 : memref<10000x128xf32, #tpu.memory_space<hbm>>) target(%dma_start3A_66 : memref<80x128xf32, #tpu.memory_space<vmem>>) offsets(%dma_start3A_69 : memref<80xi32, #tpu.memory_space<vmem>>) semaphore(%dma_start3A_74 : memref<!tpu.dma_semaphore, #tpu.memory_space<semaphore_mem>>)
    %dma_start3A_75 = arith.constant 5 : i32
    %dma_start3A_76 = arith.constant 2 : i32
    %dma_start3A_77 = arith.constant 2 : i32
    %dma_start3A_78 = arith.constant 0 : i32
    %dma_start3A_79 = arith.constant 0 : i32
    %dma_start3A_80 = tpu.memref_slice %arg9[%dma_start3A_76, %dma_start3A_78, %dma_start3A_79] : memref<4x80x128xf32, #tpu.memory_space<vmem>> -> memref<1x80x128xf32, #tpu.memory_space<vmem>>
    %dma_start3A_81 = tpu.memref_squeeze %dma_start3A_80 : memref<1x80x128xf32, #tpu.memory_space<vmem>> -> memref<80x128xf32, #tpu.memory_space<vmem>>
    %dma_start3A_82 = arith.constant 0 : i32
    %dma_start3A_83 = tpu.memref_slice %arg7[%dma_start3A_75, %dma_start3A_82] : memref<250x128xi32, #tpu.memory_space<vmem>> -> memref<1x80xi32, #tpu.memory_space<vmem>>
    %dma_start3A_84 = tpu.memref_squeeze %dma_start3A_83 : memref<1x80xi32, #tpu.memory_space<vmem>> -> memref<80xi32, #tpu.memory_space<vmem>>
    %dma_start3A_85 = arith.constant 0 : i32
    %dma_start3A_86 = arith.constant 0 : i32
    %dma_start3A_87 = tpu.memref_slice %arg3[%dma_start3A_85, %dma_start3A_86] : memref<10000x128xf32, #tpu.memory_space<hbm>> -> memref<10000x128xf32, #tpu.memory_space<hbm>>
    %dma_start3A_88 = tpu.memref_slice %arg11[%dma_start3A_77] : memref<4x!tpu.dma_semaphore, #tpu.memory_space<semaphore_mem>> -> memref<1x!tpu.dma_semaphore, #tpu.memory_space<semaphore_mem>>
    %dma_start3A_89 = tpu.memref_squeeze %dma_start3A_88 : memref<1x!tpu.dma_semaphore, #tpu.memory_space<semaphore_mem>> -> memref<!tpu.dma_semaphore, #tpu.memory_space<semaphore_mem>>
    tpu.enqueue_indirect_dma source(%dma_start3A_87 : memref<10000x128xf32, #tpu.memory_space<hbm>>) target(%dma_start3A_81 : memref<80x128xf32, #tpu.memory_space<vmem>>) offsets(%dma_start3A_84 : memref<80xi32, #tpu.memory_space<vmem>>) semaphore(%dma_start3A_89 : memref<!tpu.dma_semaphore, #tpu.memory_space<semaphore_mem>>)
    %scan3A = arith.constant 0 : i32
    %scan3A_90 = arith.constant 0 : i32
    %scan3A_91 = arith.constant 125 : i32
    %scan3A_92 = arith.addi %scan3A_90, %scan3A_91 : i32
    %scan3A_93 = arith.constant 1 : i32
    scf.for %scan3A_238 = %scan3A_90 to %scan3A_92 step %scan3A_93  : i32 {
      %jit3A = arith.constant 4 : i32
      %eq3A = arith.constant 0 : i32
      %eq3A_239 = arith.cmpi eq, %jit3A, %eq3A : i32
      %jit3A_240 = arith.constant 1 : i32
      %select_n3A = arith.select %eq3A_239, %jit3A_240, %jit3A : i32
      %rem3A = arith.remsi %scan3A_238, %select_n3A : i32
      %ne3A = arith.constant 0 : i32
      %ne3A_241 = arith.cmpi ne, %rem3A, %ne3A : i32
      %lt3A = arith.constant 0 : i32
      %lt3A_242 = arith.cmpi slt, %rem3A, %lt3A : i32
      %lt3A_243 = arith.constant 0 : i32
      %lt3A_244 = arith.cmpi slt, %select_n3A, %lt3A_243 : i32
      %ne3A_245 = arith.xori %lt3A_242, %lt3A_244 : i1
      %and3A = arith.andi %ne3A_245, %ne3A_241 : i1
      %add3A_246 = arith.addi %rem3A, %select_n3A : i32
      %select_n3A_247 = arith.select %and3A, %add3A_246, %rem3A : i32
      %mul3A_248 = arith.constant 2 : i32
      %mul3A_249 = arith.muli %mul3A_248, %scan3A_238 : i32
      %mul3A_250 = arith.constant 2 : i32
      %mul3A_251 = arith.muli %mul3A_250, %scan3A_238 : i32
      %add3A_252 = arith.constant 1 : i32
      %add3A_253 = arith.addi %mul3A_251, %add3A_252 : i32
      %dma_wait3A_254 = arith.constant 0 : i32
      %dma_wait3A_255 = arith.constant 0 : i32
      %dma_wait3A_256 = tpu.memref_slice %arg8[%select_n3A_247, %dma_wait3A_254, %dma_wait3A_255] : memref<4x80x128xf32, #tpu.memory_space<vmem>> -> memref<1x80x128xf32, #tpu.memory_space<vmem>>
      %dma_wait3A_257 = tpu.memref_squeeze %dma_wait3A_256 : memref<1x80x128xf32, #tpu.memory_space<vmem>> -> memref<80x128xf32, #tpu.memory_space<vmem>>
      %dma_wait3A_258 = arith.constant 0 : i32
      %dma_wait3A_259 = tpu.memref_slice %arg7[%mul3A_249, %dma_wait3A_258] : memref<250x128xi32, #tpu.memory_space<vmem>> -> memref<1x80xi32, #tpu.memory_space<vmem>>
      %dma_wait3A_260 = tpu.memref_squeeze %dma_wait3A_259 : memref<1x80xi32, #tpu.memory_space<vmem>> -> memref<80xi32, #tpu.memory_space<vmem>>
      %dma_wait3A_261 = arith.constant 0 : i32
      %dma_wait3A_262 = arith.constant 0 : i32
      %dma_wait3A_263 = tpu.memref_slice %arg2[%dma_wait3A_261, %dma_wait3A_262] : memref<10000x128xf32, #tpu.memory_space<hbm>> -> memref<10000x128xf32, #tpu.memory_space<hbm>>
      %dma_wait3A_264 = tpu.memref_slice %arg10[%select_n3A_247] : memref<4x!tpu.dma_semaphore, #tpu.memory_space<semaphore_mem>> -> memref<1x!tpu.dma_semaphore, #tpu.memory_space<semaphore_mem>>
      %dma_wait3A_265 = tpu.memref_squeeze %dma_wait3A_264 : memref<1x!tpu.dma_semaphore, #tpu.memory_space<semaphore_mem>> -> memref<!tpu.dma_semaphore, #tpu.memory_space<semaphore_mem>>
      tpu.wait_indirect_dma semaphore(%dma_wait3A_265 : memref<!tpu.dma_semaphore, #tpu.memory_space<semaphore_mem>>) src(%dma_wait3A_263 : memref<10000x128xf32, #tpu.memory_space<hbm>>) dst(%dma_wait3A_257 : memref<80x128xf32, #tpu.memory_space<vmem>>)
      %dma_wait3A_266 = arith.constant 0 : i32
      %dma_wait3A_267 = arith.constant 0 : i32
      %dma_wait3A_268 = tpu.memref_slice %arg9[%select_n3A_247, %dma_wait3A_266, %dma_wait3A_267] : memref<4x80x128xf32, #tpu.memory_space<vmem>> -> memref<1x80x128xf32, #tpu.memory_space<vmem>>
      %dma_wait3A_269 = tpu.memref_squeeze %dma_wait3A_268 : memref<1x80x128xf32, #tpu.memory_space<vmem>> -> memref<80x128xf32, #tpu.memory_space<vmem>>
      %dma_wait3A_270 = arith.constant 0 : i32
      %dma_wait3A_271 = tpu.memref_slice %arg7[%add3A_253, %dma_wait3A_270] : memref<250x128xi32, #tpu.memory_space<vmem>> -> memref<1x80xi32, #tpu.memory_space<vmem>>
      %dma_wait3A_272 = tpu.memref_squeeze %dma_wait3A_271 : memref<1x80xi32, #tpu.memory_space<vmem>> -> memref<80xi32, #tpu.memory_space<vmem>>
      %dma_wait3A_273 = arith.constant 0 : i32
      %dma_wait3A_274 = arith.constant 0 : i32
      %dma_wait3A_275 = tpu.memref_slice %arg3[%dma_wait3A_273, %dma_wait3A_274] : memref<10000x128xf32, #tpu.memory_space<hbm>> -> memref<10000x128xf32, #tpu.memory_space<hbm>>
      %dma_wait3A_276 = tpu.memref_slice %arg11[%select_n3A_247] : memref<4x!tpu.dma_semaphore, #tpu.memory_space<semaphore_mem>> -> memref<1x!tpu.dma_semaphore, #tpu.memory_space<semaphore_mem>>
      %dma_wait3A_277 = tpu.memref_squeeze %dma_wait3A_276 : memref<1x!tpu.dma_semaphore, #tpu.memory_space<semaphore_mem>> -> memref<!tpu.dma_semaphore, #tpu.memory_space<semaphore_mem>>
      tpu.wait_indirect_dma semaphore(%dma_wait3A_277 : memref<!tpu.dma_semaphore, #tpu.memory_space<semaphore_mem>>) src(%dma_wait3A_275 : memref<10000x128xf32, #tpu.memory_space<hbm>>) dst(%dma_wait3A_269 : memref<80x128xf32, #tpu.memory_space<vmem>>)
      %mul3A_278 = arith.constant 10000 : i32
      %mul3A_279 = arith.muli %add3A, %mul3A_278 : i32
      %mul3A_280 = arith.constant 80 : i32
      %mul3A_281 = arith.muli %scan3A_238, %mul3A_280 : i32
      %add3A_282 = arith.addi %mul3A_279, %mul3A_281 : i32
      %multiple_of3A = tpu.assume_multiple %add3A_282, 8 : i32
      %dma_start3A_283 = arith.constant 0 : i32
      %dma_start3A_284 = arith.constant 0 : i32
      %dma_start3A_285 = tpu.memref_slice %arg8[%select_n3A_247, %dma_start3A_283, %dma_start3A_284] : memref<4x80x128xf32, #tpu.memory_space<vmem>> -> memref<1x80x128xf32, #tpu.memory_space<vmem>>
      %dma_start3A_286 = tpu.memref_squeeze %dma_start3A_285 : memref<1x80x128xf32, #tpu.memory_space<vmem>> -> memref<80x128xf32, #tpu.memory_space<vmem>>
      %dma_start3A_287 = arith.constant 0 : i32
      %dma_start3A_288 = tpu.memref_slice %arg5[%multiple_of3A, %dma_start3A_287] : memref<320000x128xf32, #tpu.memory_space<hbm>> -> memref<80x128xf32, #tpu.memory_space<hbm>>
      %dma_start3A_289 = tpu.memref_slice %arg12[%select_n3A_247] : memref<4x!tpu.dma_semaphore, #tpu.memory_space<semaphore_mem>> -> memref<1x!tpu.dma_semaphore, #tpu.memory_space<semaphore_mem>>
      %dma_start3A_290 = tpu.memref_squeeze %dma_start3A_289 : memref<1x!tpu.dma_semaphore, #tpu.memory_space<semaphore_mem>> -> memref<!tpu.dma_semaphore, #tpu.memory_space<semaphore_mem>>
      %dma_start3A_291 = arith.constant 0 : i32
      %dma_start3A_292 = tpu.memref_slice %arg5[%multiple_of3A, %dma_start3A_291] : memref<320000x128xf32, #tpu.memory_space<hbm>> -> memref<80x128xf32, #tpu.memory_space<hbm>>
      %dma_start3A_293 = arith.constant 0 : i32
      %dma_start3A_294 = arith.constant 0 : i32
      %dma_start3A_295 = tpu.memref_slice %arg8[%select_n3A_247, %dma_start3A_293, %dma_start3A_294] : memref<4x80x128xf32, #tpu.memory_space<vmem>> -> memref<1x80x128xf32, #tpu.memory_space<vmem>>
      %dma_start3A_296 = tpu.memref_squeeze %dma_start3A_295 : memref<1x80x128xf32, #tpu.memory_space<vmem>> -> memref<80x128xf32, #tpu.memory_space<vmem>>
      tpu.enqueue_dma source(%dma_start3A_296 : memref<80x128xf32, #tpu.memory_space<vmem>>) target(%dma_start3A_292 : memref<80x128xf32, #tpu.memory_space<hbm>>) target_semaphore(%dma_start3A_290 : memref<!tpu.dma_semaphore, #tpu.memory_space<semaphore_mem>>)
      %dma_start3A_297 = arith.constant 0 : i32
      %dma_start3A_298 = arith.constant 0 : i32
      %dma_start3A_299 = tpu.memref_slice %arg9[%select_n3A_247, %dma_start3A_297, %dma_start3A_298] : memref<4x80x128xf32, #tpu.memory_space<vmem>> -> memref<1x80x128xf32, #tpu.memory_space<vmem>>
      %dma_start3A_300 = tpu.memref_squeeze %dma_start3A_299 : memref<1x80x128xf32, #tpu.memory_space<vmem>> -> memref<80x128xf32, #tpu.memory_space<vmem>>
      %dma_start3A_301 = arith.constant 0 : i32
      %dma_start3A_302 = tpu.memref_slice %arg6[%multiple_of3A, %dma_start3A_301] : memref<320000x128xf32, #tpu.memory_space<hbm>> -> memref<80x128xf32, #tpu.memory_space<hbm>>
      %dma_start3A_303 = tpu.memref_slice %arg13[%select_n3A_247] : memref<4x!tpu.dma_semaphore, #tpu.memory_space<semaphore_mem>> -> memref<1x!tpu.dma_semaphore, #tpu.memory_space<semaphore_mem>>
      %dma_start3A_304 = tpu.memref_squeeze %dma_start3A_303 : memref<1x!tpu.dma_semaphore, #tpu.memory_space<semaphore_mem>> -> memref<!tpu.dma_semaphore, #tpu.memory_space<semaphore_mem>>
      %dma_start3A_305 = arith.constant 0 : i32
      %dma_start3A_306 = tpu.memref_slice %arg6[%multiple_of3A, %dma_start3A_305] : memref<320000x128xf32, #tpu.memory_space<hbm>> -> memref<80x128xf32, #tpu.memory_space<hbm>>
      %dma_start3A_307 = arith.constant 0 : i32
      %dma_start3A_308 = arith.constant 0 : i32
      %dma_start3A_309 = tpu.memref_slice %arg9[%select_n3A_247, %dma_start3A_307, %dma_start3A_308] : memref<4x80x128xf32, #tpu.memory_space<vmem>> -> memref<1x80x128xf32, #tpu.memory_space<vmem>>
      %dma_start3A_310 = tpu.memref_squeeze %dma_start3A_309 : memref<1x80x128xf32, #tpu.memory_space<vmem>> -> memref<80x128xf32, #tpu.memory_space<vmem>>
      tpu.enqueue_dma source(%dma_start3A_310 : memref<80x128xf32, #tpu.memory_space<vmem>>) target(%dma_start3A_306 : memref<80x128xf32, #tpu.memory_space<hbm>>) target_semaphore(%dma_start3A_304 : memref<!tpu.dma_semaphore, #tpu.memory_space<semaphore_mem>>)
      %add3A_311 = arith.constant 3 : i32
      %add3A_312 = arith.addi %scan3A_238, %add3A_311 : i32
      %jit3A_313 = arith.constant 4 : i32
      %eq3A_314 = arith.constant 0 : i32
      %eq3A_315 = arith.cmpi eq, %jit3A_313, %eq3A_314 : i32
      %jit3A_316 = arith.constant 1 : i32
      %select_n3A_317 = arith.select %eq3A_315, %jit3A_316, %jit3A_313 : i32
      %rem3A_318 = arith.remsi %add3A_312, %select_n3A_317 : i32
      %ne3A_319 = arith.constant 0 : i32
      %ne3A_320 = arith.cmpi ne, %rem3A_318, %ne3A_319 : i32
      %lt3A_321 = arith.constant 0 : i32
      %lt3A_322 = arith.cmpi slt, %rem3A_318, %lt3A_321 : i32
      %lt3A_323 = arith.constant 0 : i32
      %lt3A_324 = arith.cmpi slt, %select_n3A_317, %lt3A_323 : i32
      %ne3A_325 = arith.xori %lt3A_322, %lt3A_324 : i1
      %and3A_326 = arith.andi %ne3A_325, %ne3A_320 : i1
      %add3A_327 = arith.addi %rem3A_318, %select_n3A_317 : i32
      %select_n3A_328 = arith.select %and3A_326, %add3A_327, %rem3A_318 : i32
      %add3A_329 = arith.constant 3 : i32
      %add3A_330 = arith.addi %scan3A_238, %add3A_329 : i32
      %lt3A_331 = arith.constant 125 : i32
      %lt3A_332 = arith.cmpi slt, %add3A_330, %lt3A_331 : i32
      %ge3A = arith.constant 1 : i32
      %ge3A_333 = arith.cmpi sge, %scan3A_238, %ge3A : i32
      %and3A_334 = arith.andi %lt3A_332, %ge3A_333 : i1
      %convert_element_type3A = arith.extui %and3A_334 : i1 to i32
      %cond3A = arith.constant 0 : i32
      %cond3A_335 = arith.cmpi ne, %convert_element_type3A, %cond3A : i32
      scf.if %cond3A_335 {
        %dma_wait3A_343 = arith.constant 0 : i32
        %dma_wait3A_344 = arith.constant 0 : i32
        %dma_wait3A_345 = tpu.memref_slice %arg8[%select_n3A_328, %dma_wait3A_343, %dma_wait3A_344] : memref<4x80x128xf32, #tpu.memory_space<vmem>> -> memref<1x80x128xf32, #tpu.memory_space<vmem>>
        %dma_wait3A_346 = tpu.memref_squeeze %dma_wait3A_345 : memref<1x80x128xf32, #tpu.memory_space<vmem>> -> memref<80x128xf32, #tpu.memory_space<vmem>>
        %dma_wait3A_347 = arith.constant 0 : i32
        %dma_wait3A_348 = arith.constant 0 : i32
        %dma_wait3A_349 = tpu.memref_slice %arg5[%dma_wait3A_347, %dma_wait3A_348] : memref<320000x128xf32, #tpu.memory_space<hbm>> -> memref<80x128xf32, #tpu.memory_space<hbm>>
        %dma_wait3A_350 = tpu.memref_slice %arg12[%select_n3A_328] : memref<4x!tpu.dma_semaphore, #tpu.memory_space<semaphore_mem>> -> memref<1x!tpu.dma_semaphore, #tpu.memory_space<semaphore_mem>>
        %dma_wait3A_351 = tpu.memref_squeeze %dma_wait3A_350 : memref<1x!tpu.dma_semaphore, #tpu.memory_space<semaphore_mem>> -> memref<!tpu.dma_semaphore, #tpu.memory_space<semaphore_mem>>
        %dma_wait3A_352 = arith.constant 0 : i32
        %dma_wait3A_353 = arith.constant 0 : i32
        %dma_wait3A_354 = tpu.memref_slice %arg5[%dma_wait3A_352, %dma_wait3A_353] : memref<320000x128xf32, #tpu.memory_space<hbm>> -> memref<80x128xf32, #tpu.memory_space<hbm>>
        %dma_wait3A_355 = arith.constant 0 : i32
        %dma_wait3A_356 = arith.constant 0 : i32
        %dma_wait3A_357 = tpu.memref_slice %arg8[%select_n3A_328, %dma_wait3A_355, %dma_wait3A_356] : memref<4x80x128xf32, #tpu.memory_space<vmem>> -> memref<1x80x128xf32, #tpu.memory_space<vmem>>
        %dma_wait3A_358 = tpu.memref_squeeze %dma_wait3A_357 : memref<1x80x128xf32, #tpu.memory_space<vmem>> -> memref<80x128xf32, #tpu.memory_space<vmem>>
        tpu.wait_dma2 semaphore(%dma_wait3A_351 : memref<!tpu.dma_semaphore, #tpu.memory_space<semaphore_mem>>) src(%dma_wait3A_358 : memref<80x128xf32, #tpu.memory_space<vmem>>) dst(%dma_wait3A_354 : memref<80x128xf32, #tpu.memory_space<hbm>>)
        %dma_wait3A_359 = arith.constant 0 : i32
        %dma_wait3A_360 = arith.constant 0 : i32
        %dma_wait3A_361 = tpu.memref_slice %arg9[%select_n3A_328, %dma_wait3A_359, %dma_wait3A_360] : memref<4x80x128xf32, #tpu.memory_space<vmem>> -> memref<1x80x128xf32, #tpu.memory_space<vmem>>
        %dma_wait3A_362 = tpu.memref_squeeze %dma_wait3A_361 : memref<1x80x128xf32, #tpu.memory_space<vmem>> -> memref<80x128xf32, #tpu.memory_space<vmem>>
        %dma_wait3A_363 = arith.constant 0 : i32
        %dma_wait3A_364 = arith.constant 0 : i32
        %dma_wait3A_365 = tpu.memref_slice %arg6[%dma_wait3A_363, %dma_wait3A_364] : memref<320000x128xf32, #tpu.memory_space<hbm>> -> memref<80x128xf32, #tpu.memory_space<hbm>>
        %dma_wait3A_366 = tpu.memref_slice %arg13[%select_n3A_328] : memref<4x!tpu.dma_semaphore, #tpu.memory_space<semaphore_mem>> -> memref<1x!tpu.dma_semaphore, #tpu.memory_space<semaphore_mem>>
        %dma_wait3A_367 = tpu.memref_squeeze %dma_wait3A_366 : memref<1x!tpu.dma_semaphore, #tpu.memory_space<semaphore_mem>> -> memref<!tpu.dma_semaphore, #tpu.memory_space<semaphore_mem>>
        %dma_wait3A_368 = arith.constant 0 : i32
        %dma_wait3A_369 = arith.constant 0 : i32
        %dma_wait3A_370 = tpu.memref_slice %arg6[%dma_wait3A_368, %dma_wait3A_369] : memref<320000x128xf32, #tpu.memory_space<hbm>> -> memref<80x128xf32, #tpu.memory_space<hbm>>
        %dma_wait3A_371 = arith.constant 0 : i32
        %dma_wait3A_372 = arith.constant 0 : i32
        %dma_wait3A_373 = tpu.memref_slice %arg9[%select_n3A_328, %dma_wait3A_371, %dma_wait3A_372] : memref<4x80x128xf32, #tpu.memory_space<vmem>> -> memref<1x80x128xf32, #tpu.memory_space<vmem>>
        %dma_wait3A_374 = tpu.memref_squeeze %dma_wait3A_373 : memref<1x80x128xf32, #tpu.memory_space<vmem>> -> memref<80x128xf32, #tpu.memory_space<vmem>>
        tpu.wait_dma2 semaphore(%dma_wait3A_367 : memref<!tpu.dma_semaphore, #tpu.memory_space<semaphore_mem>>) src(%dma_wait3A_374 : memref<80x128xf32, #tpu.memory_space<vmem>>) dst(%dma_wait3A_370 : memref<80x128xf32, #tpu.memory_space<hbm>>)
      } else {
      }
      %add3A_336 = arith.constant 3 : i32
      %add3A_337 = arith.addi %scan3A_238, %add3A_336 : i32
      %lt3A_338 = arith.constant 125 : i32
      %lt3A_339 = arith.cmpi slt, %add3A_337, %lt3A_338 : i32
      %convert_element_type3A_340 = arith.extui %lt3A_339 : i1 to i32
      %cond3A_341 = arith.constant 0 : i32
      %cond3A_342 = arith.cmpi ne, %convert_element_type3A_340, %cond3A_341 : i32
      scf.if %cond3A_342 {
        %add3A_343 = arith.constant 3 : i32
        %add3A_344 = arith.addi %scan3A_238, %add3A_343 : i32
        %mul3A_345 = arith.constant 2 : i32
        %mul3A_346 = arith.muli %mul3A_345, %add3A_344 : i32
        %mul3A_347 = arith.constant 2 : i32
        %mul3A_348 = arith.muli %mul3A_347, %add3A_344 : i32
        %add3A_349 = arith.constant 1 : i32
        %add3A_350 = arith.addi %mul3A_348, %add3A_349 : i32
        %dma_start3A_351 = arith.constant 0 : i32
        %dma_start3A_352 = arith.constant 0 : i32
        %dma_start3A_353 = tpu.memref_slice %arg8[%select_n3A_328, %dma_start3A_351, %dma_start3A_352] : memref<4x80x128xf32, #tpu.memory_space<vmem>> -> memref<1x80x128xf32, #tpu.memory_space<vmem>>
        %dma_start3A_354 = tpu.memref_squeeze %dma_start3A_353 : memref<1x80x128xf32, #tpu.memory_space<vmem>> -> memref<80x128xf32, #tpu.memory_space<vmem>>
        %dma_start3A_355 = arith.constant 0 : i32
        %dma_start3A_356 = tpu.memref_slice %arg7[%mul3A_346, %dma_start3A_355] : memref<250x128xi32, #tpu.memory_space<vmem>> -> memref<1x80xi32, #tpu.memory_space<vmem>>
        %dma_start3A_357 = tpu.memref_squeeze %dma_start3A_356 : memref<1x80xi32, #tpu.memory_space<vmem>> -> memref<80xi32, #tpu.memory_space<vmem>>
        %dma_start3A_358 = arith.constant 0 : i32
        %dma_start3A_359 = arith.constant 0 : i32
        %dma_start3A_360 = tpu.memref_slice %arg2[%dma_start3A_358, %dma_start3A_359] : memref<10000x128xf32, #tpu.memory_space<hbm>> -> memref<10000x128xf32, #tpu.memory_space<hbm>>
        %dma_start3A_361 = tpu.memref_slice %arg10[%select_n3A_328] : memref<4x!tpu.dma_semaphore, #tpu.memory_space<semaphore_mem>> -> memref<1x!tpu.dma_semaphore, #tpu.memory_space<semaphore_mem>>
        %dma_start3A_362 = tpu.memref_squeeze %dma_start3A_361 : memref<1x!tpu.dma_semaphore, #tpu.memory_space<semaphore_mem>> -> memref<!tpu.dma_semaphore, #tpu.memory_space<semaphore_mem>>
        tpu.enqueue_indirect_dma source(%dma_start3A_360 : memref<10000x128xf32, #tpu.memory_space<hbm>>) target(%dma_start3A_354 : memref<80x128xf32, #tpu.memory_space<vmem>>) offsets(%dma_start3A_357 : memref<80xi32, #tpu.memory_space<vmem>>) semaphore(%dma_start3A_362 : memref<!tpu.dma_semaphore, #tpu.memory_space<semaphore_mem>>)
        %dma_start3A_363 = arith.constant 0 : i32
        %dma_start3A_364 = arith.constant 0 : i32
        %dma_start3A_365 = tpu.memref_slice %arg9[%select_n3A_328, %dma_start3A_363, %dma_start3A_364] : memref<4x80x128xf32, #tpu.memory_space<vmem>> -> memref<1x80x128xf32, #tpu.memory_space<vmem>>
        %dma_start3A_366 = tpu.memref_squeeze %dma_start3A_365 : memref<1x80x128xf32, #tpu.memory_space<vmem>> -> memref<80x128xf32, #tpu.memory_space<vmem>>
        %dma_start3A_367 = arith.constant 0 : i32
        %dma_start3A_368 = tpu.memref_slice %arg7[%add3A_350, %dma_start3A_367] : memref<250x128xi32, #tpu.memory_space<vmem>> -> memref<1x80xi32, #tpu.memory_space<vmem>>
        %dma_start3A_369 = tpu.memref_squeeze %dma_start3A_368 : memref<1x80xi32, #tpu.memory_space<vmem>> -> memref<80xi32, #tpu.memory_space<vmem>>
        %dma_start3A_370 = arith.constant 0 : i32
        %dma_start3A_371 = arith.constant 0 : i32
        %dma_start3A_372 = tpu.memref_slice %arg3[%dma_start3A_370, %dma_start3A_371] : memref<10000x128xf32, #tpu.memory_space<hbm>> -> memref<10000x128xf32, #tpu.memory_space<hbm>>
        %dma_start3A_373 = tpu.memref_slice %arg11[%select_n3A_328] : memref<4x!tpu.dma_semaphore, #tpu.memory_space<semaphore_mem>> -> memref<1x!tpu.dma_semaphore, #tpu.memory_space<semaphore_mem>>
        %dma_start3A_374 = tpu.memref_squeeze %dma_start3A_373 : memref<1x!tpu.dma_semaphore, #tpu.memory_space<semaphore_mem>> -> memref<!tpu.dma_semaphore, #tpu.memory_space<semaphore_mem>>
        tpu.enqueue_indirect_dma source(%dma_start3A_372 : memref<10000x128xf32, #tpu.memory_space<hbm>>) target(%dma_start3A_366 : memref<80x128xf32, #tpu.memory_space<vmem>>) offsets(%dma_start3A_369 : memref<80xi32, #tpu.memory_space<vmem>>) semaphore(%dma_start3A_374 : memref<!tpu.dma_semaphore, #tpu.memory_space<semaphore_mem>>)
      } else {
      }
    }
    %scan3A_94 = arith.constant 125 : i32
    %dma_wait3A = arith.constant 1 : i32
    %dma_wait3A_95 = arith.constant 1 : i32
    %dma_wait3A_96 = arith.constant 0 : i32
    %dma_wait3A_97 = arith.constant 0 : i32
    %dma_wait3A_98 = tpu.memref_slice %arg8[%dma_wait3A, %dma_wait3A_96, %dma_wait3A_97] : memref<4x80x128xf32, #tpu.memory_space<vmem>> -> memref<1x80x128xf32, #tpu.memory_space<vmem>>
    %dma_wait3A_99 = tpu.memref_squeeze %dma_wait3A_98 : memref<1x80x128xf32, #tpu.memory_space<vmem>> -> memref<80x128xf32, #tpu.memory_space<vmem>>
    %dma_wait3A_100 = arith.constant 0 : i32
    %dma_wait3A_101 = arith.constant 0 : i32
    %dma_wait3A_102 = tpu.memref_slice %arg5[%dma_wait3A_100, %dma_wait3A_101] : memref<320000x128xf32, #tpu.memory_space<hbm>> -> memref<80x128xf32, #tpu.memory_space<hbm>>
    %dma_wait3A_103 = tpu.memref_slice %arg12[%dma_wait3A_95] : memref<4x!tpu.dma_semaphore, #tpu.memory_space<semaphore_mem>> -> memref<1x!tpu.dma_semaphore, #tpu.memory_space<semaphore_mem>>
    %dma_wait3A_104 = tpu.memref_squeeze %dma_wait3A_103 : memref<1x!tpu.dma_semaphore, #tpu.memory_space<semaphore_mem>> -> memref<!tpu.dma_semaphore, #tpu.memory_space<semaphore_mem>>
    %dma_wait3A_105 = arith.constant 0 : i32
    %dma_wait3A_106 = arith.constant 0 : i32
    %dma_wait3A_107 = tpu.memref_slice %arg5[%dma_wait3A_105, %dma_wait3A_106] : memref<320000x128xf32, #tpu.memory_space<hbm>> -> memref<80x128xf32, #tpu.memory_space<hbm>>
    %dma_wait3A_108 = arith.constant 0 : i32
    %dma_wait3A_109 = arith.constant 0 : i32
    %dma_wait3A_110 = tpu.memref_slice %arg8[%dma_wait3A, %dma_wait3A_108, %dma_wait3A_109] : memref<4x80x128xf32, #tpu.memory_space<vmem>> -> memref<1x80x128xf32, #tpu.memory_space<vmem>>
    %dma_wait3A_111 = tpu.memref_squeeze %dma_wait3A_110 : memref<1x80x128xf32, #tpu.memory_space<vmem>> -> memref<80x128xf32, #tpu.memory_space<vmem>>
    tpu.wait_dma2 semaphore(%dma_wait3A_104 : memref<!tpu.dma_semaphore, #tpu.memory_space<semaphore_mem>>) src(%dma_wait3A_111 : memref<80x128xf32, #tpu.memory_space<vmem>>) dst(%dma_wait3A_107 : memref<80x128xf32, #tpu.memory_space<hbm>>)
    %dma_wait3A_112 = arith.constant 1 : i32
    %dma_wait3A_113 = arith.constant 1 : i32
    %dma_wait3A_114 = arith.constant 0 : i32
    %dma_wait3A_115 = arith.constant 0 : i32
    %dma_wait3A_116 = tpu.memref_slice %arg9[%dma_wait3A_112, %dma_wait3A_114, %dma_wait3A_115] : memref<4x80x128xf32, #tpu.memory_space<vmem>> -> memref<1x80x128xf32, #tpu.memory_space<vmem>>
    %dma_wait3A_117 = tpu.memref_squeeze %dma_wait3A_116 : memref<1x80x128xf32, #tpu.memory_space<vmem>> -> memref<80x128xf32, #tpu.memory_space<vmem>>
    %dma_wait3A_118 = arith.constant 0 : i32
    %dma_wait3A_119 = arith.constant 0 : i32
    %dma_wait3A_120 = tpu.memref_slice %arg6[%dma_wait3A_118, %dma_wait3A_119] : memref<320000x128xf32, #tpu.memory_space<hbm>> -> memref<80x128xf32, #tpu.memory_space<hbm>>
    %dma_wait3A_121 = tpu.memref_slice %arg13[%dma_wait3A_113] : memref<4x!tpu.dma_semaphore, #tpu.memory_space<semaphore_mem>> -> memref<1x!tpu.dma_semaphore, #tpu.memory_space<semaphore_mem>>
    %dma_wait3A_122 = tpu.memref_squeeze %dma_wait3A_121 : memref<1x!tpu.dma_semaphore, #tpu.memory_space<semaphore_mem>> -> memref<!tpu.dma_semaphore, #tpu.memory_space<semaphore_mem>>
    %dma_wait3A_123 = arith.constant 0 : i32
    %dma_wait3A_124 = arith.constant 0 : i32
    %dma_wait3A_125 = tpu.memref_slice %arg6[%dma_wait3A_123, %dma_wait3A_124] : memref<320000x128xf32, #tpu.memory_space<hbm>> -> memref<80x128xf32, #tpu.memory_space<hbm>>
    %dma_wait3A_126 = arith.constant 0 : i32
    %dma_wait3A_127 = arith.constant 0 : i32
    %dma_wait3A_128 = tpu.memref_slice %arg9[%dma_wait3A_112, %dma_wait3A_126, %dma_wait3A_127] : memref<4x80x128xf32, #tpu.memory_space<vmem>> -> memref<1x80x128xf32, #tpu.memory_space<vmem>>
    %dma_wait3A_129 = tpu.memref_squeeze %dma_wait3A_128 : memref<1x80x128xf32, #tpu.memory_space<vmem>> -> memref<80x128xf32, #tpu.memory_space<vmem>>
    tpu.wait_dma2 semaphore(%dma_wait3A_122 : memref<!tpu.dma_semaphore, #tpu.memory_space<semaphore_mem>>) src(%dma_wait3A_129 : memref<80x128xf32, #tpu.memory_space<vmem>>) dst(%dma_wait3A_125 : memref<80x128xf32, #tpu.memory_space<hbm>>)
    %dma_wait3A_130 = arith.constant 2 : i32
    %dma_wait3A_131 = arith.constant 2 : i32
    %dma_wait3A_132 = arith.constant 0 : i32
    %dma_wait3A_133 = arith.constant 0 : i32
    %dma_wait3A_134 = tpu.memref_slice %arg8[%dma_wait3A_130, %dma_wait3A_132, %dma_wait3A_133] : memref<4x80x128xf32, #tpu.memory_space<vmem>> -> memref<1x80x128xf32, #tpu.memory_space<vmem>>
    %dma_wait3A_135 = tpu.memref_squeeze %dma_wait3A_134 : memref<1x80x128xf32, #tpu.memory_space<vmem>> -> memref<80x128xf32, #tpu.memory_space<vmem>>
    %dma_wait3A_136 = arith.constant 0 : i32
    %dma_wait3A_137 = arith.constant 0 : i32
    %dma_wait3A_138 = tpu.memref_slice %arg5[%dma_wait3A_136, %dma_wait3A_137] : memref<320000x128xf32, #tpu.memory_space<hbm>> -> memref<80x128xf32, #tpu.memory_space<hbm>>
    %dma_wait3A_139 = tpu.memref_slice %arg12[%dma_wait3A_131] : memref<4x!tpu.dma_semaphore, #tpu.memory_space<semaphore_mem>> -> memref<1x!tpu.dma_semaphore, #tpu.memory_space<semaphore_mem>>
    %dma_wait3A_140 = tpu.memref_squeeze %dma_wait3A_139 : memref<1x!tpu.dma_semaphore, #tpu.memory_space<semaphore_mem>> -> memref<!tpu.dma_semaphore, #tpu.memory_space<semaphore_mem>>
    %dma_wait3A_141 = arith.constant 0 : i32
    %dma_wait3A_142 = arith.constant 0 : i32
    %dma_wait3A_143 = tpu.memref_slice %arg5[%dma_wait3A_141, %dma_wait3A_142] : memref<320000x128xf32, #tpu.memory_space<hbm>> -> memref<80x128xf32, #tpu.memory_space<hbm>>
    %dma_wait3A_144 = arith.constant 0 : i32
    %dma_wait3A_145 = arith.constant 0 : i32
    %dma_wait3A_146 = tpu.memref_slice %arg8[%dma_wait3A_130, %dma_wait3A_144, %dma_wait3A_145] : memref<4x80x128xf32, #tpu.memory_space<vmem>> -> memref<1x80x128xf32, #tpu.memory_space<vmem>>
    %dma_wait3A_147 = tpu.memref_squeeze %dma_wait3A_146 : memref<1x80x128xf32, #tpu.memory_space<vmem>> -> memref<80x128xf32, #tpu.memory_space<vmem>>
    tpu.wait_dma2 semaphore(%dma_wait3A_140 : memref<!tpu.dma_semaphore, #tpu.memory_space<semaphore_mem>>) src(%dma_wait3A_147 : memref<80x128xf32, #tpu.memory_space<vmem>>) dst(%dma_wait3A_143 : memref<80x128xf32, #tpu.memory_space<hbm>>)
    %dma_wait3A_148 = arith.constant 2 : i32
    %dma_wait3A_149 = arith.constant 2 : i32
    %dma_wait3A_150 = arith.constant 0 : i32
    %dma_wait3A_151 = arith.constant 0 : i32
    %dma_wait3A_152 = tpu.memref_slice %arg9[%dma_wait3A_148, %dma_wait3A_150, %dma_wait3A_151] : memref<4x80x128xf32, #tpu.memory_space<vmem>> -> memref<1x80x128xf32, #tpu.memory_space<vmem>>
    %dma_wait3A_153 = tpu.memref_squeeze %dma_wait3A_152 : memref<1x80x128xf32, #tpu.memory_space<vmem>> -> memref<80x128xf32, #tpu.memory_space<vmem>>
    %dma_wait3A_154 = arith.constant 0 : i32
    %dma_wait3A_155 = arith.constant 0 : i32
    %dma_wait3A_156 = tpu.memref_slice %arg6[%dma_wait3A_154, %dma_wait3A_155] : memref<320000x128xf32, #tpu.memory_space<hbm>> -> memref<80x128xf32, #tpu.memory_space<hbm>>
    %dma_wait3A_157 = tpu.memref_slice %arg13[%dma_wait3A_149] : memref<4x!tpu.dma_semaphore, #tpu.memory_space<semaphore_mem>> -> memref<1x!tpu.dma_semaphore, #tpu.memory_space<semaphore_mem>>
    %dma_wait3A_158 = tpu.memref_squeeze %dma_wait3A_157 : memref<1x!tpu.dma_semaphore, #tpu.memory_space<semaphore_mem>> -> memref<!tpu.dma_semaphore, #tpu.memory_space<semaphore_mem>>
    %dma_wait3A_159 = arith.constant 0 : i32
    %dma_wait3A_160 = arith.constant 0 : i32
    %dma_wait3A_161 = tpu.memref_slice %arg6[%dma_wait3A_159, %dma_wait3A_160] : memref<320000x128xf32, #tpu.memory_space<hbm>> -> memref<80x128xf32, #tpu.memory_space<hbm>>
    %dma_wait3A_162 = arith.constant 0 : i32
    %dma_wait3A_163 = arith.constant 0 : i32
    %dma_wait3A_164 = tpu.memref_slice %arg9[%dma_wait3A_148, %dma_wait3A_162, %dma_wait3A_163] : memref<4x80x128xf32, #tpu.memory_space<vmem>> -> memref<1x80x128xf32, #tpu.memory_space<vmem>>
    %dma_wait3A_165 = tpu.memref_squeeze %dma_wait3A_164 : memref<1x80x128xf32, #tpu.memory_space<vmem>> -> memref<80x128xf32, #tpu.memory_space<vmem>>
    tpu.wait_dma2 semaphore(%dma_wait3A_158 : memref<!tpu.dma_semaphore, #tpu.memory_space<semaphore_mem>>) src(%dma_wait3A_165 : memref<80x128xf32, #tpu.memory_space<vmem>>) dst(%dma_wait3A_161 : memref<80x128xf32, #tpu.memory_space<hbm>>)
    %dma_wait3A_166 = arith.constant 3 : i32
    %dma_wait3A_167 = arith.constant 3 : i32
    %dma_wait3A_168 = arith.constant 0 : i32
    %dma_wait3A_169 = arith.constant 0 : i32
    %dma_wait3A_170 = tpu.memref_slice %arg8[%dma_wait3A_166, %dma_wait3A_168, %dma_wait3A_169] : memref<4x80x128xf32, #tpu.memory_space<vmem>> -> memref<1x80x128xf32, #tpu.memory_space<vmem>>
    %dma_wait3A_171 = tpu.memref_squeeze %dma_wait3A_170 : memref<1x80x128xf32, #tpu.memory_space<vmem>> -> memref<80x128xf32, #tpu.memory_space<vmem>>
    %dma_wait3A_172 = arith.constant 0 : i32
    %dma_wait3A_173 = arith.constant 0 : i32
    %dma_wait3A_174 = tpu.memref_slice %arg5[%dma_wait3A_172, %dma_wait3A_173] : memref<320000x128xf32, #tpu.memory_space<hbm>> -> memref<80x128xf32, #tpu.memory_space<hbm>>
    %dma_wait3A_175 = tpu.memref_slice %arg12[%dma_wait3A_167] : memref<4x!tpu.dma_semaphore, #tpu.memory_space<semaphore_mem>> -> memref<1x!tpu.dma_semaphore, #tpu.memory_space<semaphore_mem>>
    %dma_wait3A_176 = tpu.memref_squeeze %dma_wait3A_175 : memref<1x!tpu.dma_semaphore, #tpu.memory_space<semaphore_mem>> -> memref<!tpu.dma_semaphore, #tpu.memory_space<semaphore_mem>>
    %dma_wait3A_177 = arith.constant 0 : i32
    %dma_wait3A_178 = arith.constant 0 : i32
    %dma_wait3A_179 = tpu.memref_slice %arg5[%dma_wait3A_177, %dma_wait3A_178] : memref<320000x128xf32, #tpu.memory_space<hbm>> -> memref<80x128xf32, #tpu.memory_space<hbm>>
    %dma_wait3A_180 = arith.constant 0 : i32
    %dma_wait3A_181 = arith.constant 0 : i32
    %dma_wait3A_182 = tpu.memref_slice %arg8[%dma_wait3A_166, %dma_wait3A_180, %dma_wait3A_181] : memref<4x80x128xf32, #tpu.memory_space<vmem>> -> memref<1x80x128xf32, #tpu.memory_space<vmem>>
    %dma_wait3A_183 = tpu.memref_squeeze %dma_wait3A_182 : memref<1x80x128xf32, #tpu.memory_space<vmem>> -> memref<80x128xf32, #tpu.memory_space<vmem>>
    tpu.wait_dma2 semaphore(%dma_wait3A_176 : memref<!tpu.dma_semaphore, #tpu.memory_space<semaphore_mem>>) src(%dma_wait3A_183 : memref<80x128xf32, #tpu.memory_space<vmem>>) dst(%dma_wait3A_179 : memref<80x128xf32, #tpu.memory_space<hbm>>)
    %dma_wait3A_184 = arith.constant 3 : i32
    %dma_wait3A_185 = arith.constant 3 : i32
    %dma_wait3A_186 = arith.constant 0 : i32
    %dma_wait3A_187 = arith.constant 0 : i32
    %dma_wait3A_188 = tpu.memref_slice %arg9[%dma_wait3A_184, %dma_wait3A_186, %dma_wait3A_187] : memref<4x80x128xf32, #tpu.memory_space<vmem>> -> memref<1x80x128xf32, #tpu.memory_space<vmem>>
    %dma_wait3A_189 = tpu.memref_squeeze %dma_wait3A_188 : memref<1x80x128xf32, #tpu.memory_space<vmem>> -> memref<80x128xf32, #tpu.memory_space<vmem>>
    %dma_wait3A_190 = arith.constant 0 : i32
    %dma_wait3A_191 = arith.constant 0 : i32
    %dma_wait3A_192 = tpu.memref_slice %arg6[%dma_wait3A_190, %dma_wait3A_191] : memref<320000x128xf32, #tpu.memory_space<hbm>> -> memref<80x128xf32, #tpu.memory_space<hbm>>
    %dma_wait3A_193 = tpu.memref_slice %arg13[%dma_wait3A_185] : memref<4x!tpu.dma_semaphore, #tpu.memory_space<semaphore_mem>> -> memref<1x!tpu.dma_semaphore, #tpu.memory_space<semaphore_mem>>
    %dma_wait3A_194 = tpu.memref_squeeze %dma_wait3A_193 : memref<1x!tpu.dma_semaphore, #tpu.memory_space<semaphore_mem>> -> memref<!tpu.dma_semaphore, #tpu.memory_space<semaphore_mem>>
    %dma_wait3A_195 = arith.constant 0 : i32
    %dma_wait3A_196 = arith.constant 0 : i32
    %dma_wait3A_197 = tpu.memref_slice %arg6[%dma_wait3A_195, %dma_wait3A_196] : memref<320000x128xf32, #tpu.memory_space<hbm>> -> memref<80x128xf32, #tpu.memory_space<hbm>>
    %dma_wait3A_198 = arith.constant 0 : i32
    %dma_wait3A_199 = arith.constant 0 : i32
    %dma_wait3A_200 = tpu.memref_slice %arg9[%dma_wait3A_184, %dma_wait3A_198, %dma_wait3A_199] : memref<4x80x128xf32, #tpu.memory_space<vmem>> -> memref<1x80x128xf32, #tpu.memory_space<vmem>>
    %dma_wait3A_201 = tpu.memref_squeeze %dma_wait3A_200 : memref<1x80x128xf32, #tpu.memory_space<vmem>> -> memref<80x128xf32, #tpu.memory_space<vmem>>
    tpu.wait_dma2 semaphore(%dma_wait3A_194 : memref<!tpu.dma_semaphore, #tpu.memory_space<semaphore_mem>>) src(%dma_wait3A_201 : memref<80x128xf32, #tpu.memory_space<vmem>>) dst(%dma_wait3A_197 : memref<80x128xf32, #tpu.memory_space<hbm>>)
    %dma_wait3A_202 = arith.constant 0 : i32
    %dma_wait3A_203 = arith.constant 0 : i32
    %dma_wait3A_204 = arith.constant 0 : i32
    %dma_wait3A_205 = arith.constant 0 : i32
    %dma_wait3A_206 = tpu.memref_slice %arg8[%dma_wait3A_202, %dma_wait3A_204, %dma_wait3A_205] : memref<4x80x128xf32, #tpu.memory_space<vmem>> -> memref<1x80x128xf32, #tpu.memory_space<vmem>>
    %dma_wait3A_207 = tpu.memref_squeeze %dma_wait3A_206 : memref<1x80x128xf32, #tpu.memory_space<vmem>> -> memref<80x128xf32, #tpu.memory_space<vmem>>
    %dma_wait3A_208 = arith.constant 0 : i32
    %dma_wait3A_209 = arith.constant 0 : i32
    %dma_wait3A_210 = tpu.memref_slice %arg5[%dma_wait3A_208, %dma_wait3A_209] : memref<320000x128xf32, #tpu.memory_space<hbm>> -> memref<80x128xf32, #tpu.memory_space<hbm>>
    %dma_wait3A_211 = tpu.memref_slice %arg12[%dma_wait3A_203] : memref<4x!tpu.dma_semaphore, #tpu.memory_space<semaphore_mem>> -> memref<1x!tpu.dma_semaphore, #tpu.memory_space<semaphore_mem>>
    %dma_wait3A_212 = tpu.memref_squeeze %dma_wait3A_211 : memref<1x!tpu.dma_semaphore, #tpu.memory_space<semaphore_mem>> -> memref<!tpu.dma_semaphore, #tpu.memory_space<semaphore_mem>>
    %dma_wait3A_213 = arith.constant 0 : i32
    %dma_wait3A_214 = arith.constant 0 : i32
    %dma_wait3A_215 = tpu.memref_slice %arg5[%dma_wait3A_213, %dma_wait3A_214] : memref<320000x128xf32, #tpu.memory_space<hbm>> -> memref<80x128xf32, #tpu.memory_space<hbm>>
    %dma_wait3A_216 = arith.constant 0 : i32
    %dma_wait3A_217 = arith.constant 0 : i32
    %dma_wait3A_218 = tpu.memref_slice %arg8[%dma_wait3A_202, %dma_wait3A_216, %dma_wait3A_217] : memref<4x80x128xf32, #tpu.memory_space<vmem>> -> memref<1x80x128xf32, #tpu.memory_space<vmem>>
    %dma_wait3A_219 = tpu.memref_squeeze %dma_wait3A_218 : memref<1x80x128xf32, #tpu.memory_space<vmem>> -> memref<80x128xf32, #tpu.memory_space<vmem>>
    tpu.wait_dma2 semaphore(%dma_wait3A_212 : memref<!tpu.dma_semaphore, #tpu.memory_space<semaphore_mem>>) src(%dma_wait3A_219 : memref<80x128xf32, #tpu.memory_space<vmem>>) dst(%dma_wait3A_215 : memref<80x128xf32, #tpu.memory_space<hbm>>)
    %dma_wait3A_220 = arith.constant 0 : i32
    %dma_wait3A_221 = arith.constant 0 : i32
    %dma_wait3A_222 = arith.constant 0 : i32
    %dma_wait3A_223 = arith.constant 0 : i32
    %dma_wait3A_224 = tpu.memref_slice %arg9[%dma_wait3A_220, %dma_wait3A_222, %dma_wait3A_223] : memref<4x80x128xf32, #tpu.memory_space<vmem>> -> memref<1x80x128xf32, #tpu.memory_space<vmem>>
    %dma_wait3A_225 = tpu.memref_squeeze %dma_wait3A_224 : memref<1x80x128xf32, #tpu.memory_space<vmem>> -> memref<80x128xf32, #tpu.memory_space<vmem>>
    %dma_wait3A_226 = arith.constant 0 : i32
    %dma_wait3A_227 = arith.constant 0 : i32
    %dma_wait3A_228 = tpu.memref_slice %arg6[%dma_wait3A_226, %dma_wait3A_227] : memref<320000x128xf32, #tpu.memory_space<hbm>> -> memref<80x128xf32, #tpu.memory_space<hbm>>
    %dma_wait3A_229 = tpu.memref_slice %arg13[%dma_wait3A_221] : memref<4x!tpu.dma_semaphore, #tpu.memory_space<semaphore_mem>> -> memref<1x!tpu.dma_semaphore, #tpu.memory_space<semaphore_mem>>
    %dma_wait3A_230 = tpu.memref_squeeze %dma_wait3A_229 : memref<1x!tpu.dma_semaphore, #tpu.memory_space<semaphore_mem>> -> memref<!tpu.dma_semaphore, #tpu.memory_space<semaphore_mem>>
    %dma_wait3A_231 = arith.constant 0 : i32
    %dma_wait3A_232 = arith.constant 0 : i32
    %dma_wait3A_233 = tpu.memref_slice %arg6[%dma_wait3A_231, %dma_wait3A_232] : memref<320000x128xf32, #tpu.memory_space<hbm>> -> memref<80x128xf32, #tpu.memory_space<hbm>>
    %dma_wait3A_234 = arith.constant 0 : i32
    %dma_wait3A_235 = arith.constant 0 : i32
    %dma_wait3A_236 = tpu.memref_slice %arg9[%dma_wait3A_220, %dma_wait3A_234, %dma_wait3A_235] : memref<4x80x128xf32, #tpu.memory_space<vmem>> -> memref<1x80x128xf32, #tpu.memory_space<vmem>>
    %dma_wait3A_237 = tpu.memref_squeeze %dma_wait3A_236 : memref<1x80x128xf32, #tpu.memory_space<vmem>> -> memref<80x128xf32, #tpu.memory_space<vmem>>
    tpu.wait_dma2 semaphore(%dma_wait3A_230 : memref<!tpu.dma_semaphore, #tpu.memory_space<semaphore_mem>>) src(%dma_wait3A_237 : memref<80x128xf32, #tpu.memory_space<vmem>>) dst(%dma_wait3A_233 : memref<80x128xf32, #tpu.memory_space<hbm>>)
    return
  }
}

module attributes {stable_mosaic.version = 14 : i64} {
  func.func @_pre_body(%arg0: memref<10000x128xf32, #tpu.memory_space<vmem>>, %arg1: memref<128x256xf32, #tpu.memory_space<vmem>>, %arg2: memref<10000x128xf32, #tpu.memory_space<vmem>>, %arg3: memref<10000x128xf32, #tpu.memory_space<vmem>>) attributes {dimension_semantics = [], scalar_prefetch = 0 : i64, scratch_operands = 0 : i64, tpu.core_type = #tpu.core_type<tc>} {
    %get3A = arith.constant 0 : index
    %get3A_0 = arith.constant 0 : index
    %get3A_1 = vector.load %arg0[%get3A, %get3A_0] : memref<10000x128xf32, #tpu.memory_space<vmem>>, vector<10000x128xf32>
    %get3A_2 = arith.constant 0 : index
    %get3A_3 = arith.constant 0 : index
    %get3A_4 = vector.load %arg1[%get3A_2, %get3A_3] : memref<128x256xf32, #tpu.memory_space<vmem>>, vector<128x256xf32>
    %dot_general3A = arith.constant dense<0.000000e+00> : vector<10000x256xf32>
    %dot_general3A_5 = tpu.matmul %get3A_1, %get3A_4, %dot_general3A {dimension_numbers = #tpu.dot_dimension_numbers<[1], [0], [0], [1], [0, 0, 1, 1], [], []>, transpose_lhs_hint = false} : vector<10000x128xf32>, vector<128x256xf32>, vector<10000x256xf32> -> vector<10000x256xf32>
    %slice3A = vector.extract_strided_slice %dot_general3A_5 {offsets = [0, 0], sizes = [10000, 128], strides = [1, 1]} : vector<10000x256xf32> to vector<10000x128xf32>
    %swap3A = arith.constant 0 : index
    %swap3A_6 = arith.constant 0 : index
    %swap3A_7 = vector.load %arg2[%swap3A, %swap3A_6] : memref<10000x128xf32, #tpu.memory_space<vmem>>, vector<10000x128xf32>
    tpu.vector_store %arg2[%swap3A, %swap3A_6], %slice3A {strides = array<i32>} : memref<10000x128xf32, #tpu.memory_space<vmem>>, vector<10000x128xf32>,
    %slice3A_8 = vector.extract_strided_slice %dot_general3A_5 {offsets = [0, 128], sizes = [10000, 128], strides = [1, 1]} : vector<10000x256xf32> to vector<10000x128xf32>
    %swap3A_9 = arith.constant 0 : index
    %swap3A_10 = arith.constant 0 : index
    %swap3A_11 = vector.load %arg3[%swap3A_9, %swap3A_10] : memref<10000x128xf32, #tpu.memory_space<vmem>>, vector<10000x128xf32>
    tpu.vector_store %arg3[%swap3A_9, %swap3A_10], %slice3A_8 {strides = array<i32>} : memref<10000x128xf32, #tpu.memory_space<vmem>>, vector<10000x128xf32>,
    return
  }
}

module attributes {stable_mosaic.version = 14 : i64} {
  func.func @_edge_mlp_body(%arg0: i32, %arg1: memref<8000x128xf32, #tpu.memory_space<vmem>>, %arg2: memref<8000x128xf32, #tpu.memory_space<vmem>>, %arg3: memref<8000x16xf32, #tpu.memory_space<vmem>>, %arg4: memref<16x128xf32, #tpu.memory_space<vmem>>, %arg5: memref<1x128xf32, #tpu.memory_space<vmem>>, %arg6: memref<128x128xbf16, #tpu.memory_space<vmem>>, %arg7: memref<1x128xf32, #tpu.memory_space<vmem>>, %arg8: memref<8000x128xf32, #tpu.memory_space<vmem>>) attributes {dimension_semantics = [#tpu.dimension_semantics<arbitrary>], iteration_bounds = array<i64: 40>, scalar_prefetch = 0 : i64, scratch_operands = 0 : i64, tpu.core_type = #tpu.core_type<tc>, window_params = [{transform_indices = @transform_0, window_bounds = array<i64: 8000, 128>}, {transform_indices = @transform_1, window_bounds = array<i64: 8000, 128>}, {transform_indices = @transform_2, window_bounds = array<i64: 8000, 16>}, {pipeline_mode = #tpu.pipeline_mode<synchronous>, transform_indices = @transform_3, window_bounds = array<i64: 16, 128>}, {pipeline_mode = #tpu.pipeline_mode<synchronous>, transform_indices = @transform_4, window_bounds = array<i64: 1, 128>}, {pipeline_mode = #tpu.pipeline_mode<synchronous>, transform_indices = @transform_5, window_bounds = array<i64: 128, 128>}, {pipeline_mode = #tpu.pipeline_mode<synchronous>, transform_indices = @transform_6, window_bounds = array<i64: 1, 128>}, {transform_indices = @transform_7, window_bounds = array<i64: 8000, 128>}]} {
    %get3A = arith.constant 0 : index
    %get3A_0 = arith.constant 0 : index
    %get3A_1 = vector.load %arg1[%get3A, %get3A_0] : memref<8000x128xf32, #tpu.memory_space<vmem>>, vector<8000x128xf32>
    %get3A_2 = arith.constant 0 : index
    %get3A_3 = arith.constant 0 : index
    %get3A_4 = vector.load %arg2[%get3A_2, %get3A_3] : memref<8000x128xf32, #tpu.memory_space<vmem>>, vector<8000x128xf32>
    %add3A = arith.addf %get3A_1, %get3A_4 : vector<8000x128xf32>
    %get3A_5 = arith.constant 0 : index
    %get3A_6 = arith.constant 0 : index
    %get3A_7 = vector.load %arg3[%get3A_5, %get3A_6] : memref<8000x16xf32, #tpu.memory_space<vmem>>, vector<8000x16xf32>
    %get3A_8 = arith.constant 0 : index
    %get3A_9 = arith.constant 0 : index
    %get3A_10 = vector.load %arg4[%get3A_8, %get3A_9] : memref<16x128xf32, #tpu.memory_space<vmem>>, vector<16x128xf32>
    %dot_general3A = arith.constant dense<0.000000e+00> : vector<8000x128xf32>
    %dot_general3A_11 = tpu.matmul %get3A_7, %get3A_10, %dot_general3A {dimension_numbers = #tpu.dot_dimension_numbers<[1], [0], [0], [1], [0, 0, 1, 1], [], []>, transpose_lhs_hint = false} : vector<8000x16xf32>, vector<16x128xf32>, vector<8000x128xf32> -> vector<8000x128xf32>
    %add3A_12 = arith.addf %add3A, %dot_general3A_11 : vector<8000x128xf32>
    %get3A_13 = arith.constant 0 : index
    %get3A_14 = arith.constant 0 : index
    %get3A_15 = vector.load %arg5[%get3A_13, %get3A_14] : memref<1x128xf32, #tpu.memory_space<vmem>>, vector<1x128xf32>
    %add3A_16 = vector.broadcast %get3A_15 : vector<1x128xf32> to vector<8000x128xf32>
    %add3A_17 = arith.addf %add3A_12, %add3A_16 : vector<8000x128xf32>
    %max3A = arith.constant 0.000000e+00 : f32
    %max3A_18 = vector.broadcast %max3A : f32 to vector<8000x128xf32>
    %max3A_19 = arith.maximumf %add3A_17, %max3A_18 : vector<8000x128xf32>
    %convert_element_type3A = arith.truncf %max3A_19 : vector<8000x128xf32> to vector<8000x128xbf16>
    %get3A_20 = arith.constant 0 : index
    %get3A_21 = arith.constant 0 : index
    %get3A_22 = vector.load %arg6[%get3A_20, %get3A_21] : memref<128x128xbf16, #tpu.memory_space<vmem>>, vector<128x128xbf16>
    %dot_general3A_23 = arith.constant dense<0.000000e+00> : vector<8000x128xf32>
    %dot_general3A_24 = tpu.matmul %convert_element_type3A, %get3A_22, %dot_general3A_23 {dimension_numbers = #tpu.dot_dimension_numbers<[1], [0], [0], [1], [0, 0, 1, 1], [], []>, transpose_lhs_hint = false} : vector<8000x128xbf16>, vector<128x128xbf16>, vector<8000x128xf32> -> vector<8000x128xf32>
    %get3A_25 = arith.constant 0 : index
    %get3A_26 = arith.constant 0 : index
    %get3A_27 = vector.load %arg7[%get3A_25, %get3A_26] : memref<1x128xf32, #tpu.memory_space<vmem>>, vector<1x128xf32>
    %add3A_28 = vector.broadcast %get3A_27 : vector<1x128xf32> to vector<8000x128xf32>
    %add3A_29 = arith.addf %dot_general3A_24, %add3A_28 : vector<8000x128xf32>
    %swap3A = arith.constant 0 : index
    %swap3A_30 = arith.constant 0 : index
    %swap3A_31 = vector.load %arg8[%swap3A, %swap3A_30] : memref<8000x128xf32, #tpu.memory_space<vmem>>, vector<8000x128xf32>
    tpu.vector_store %arg8[%swap3A, %swap3A_30], %add3A_29 {strides = array<i32>} : memref<8000x128xf32, #tpu.memory_space<vmem>>, vector<8000x128xf32>,
    return
  }
  func.func @transform_0(%arg0: i32) -> (i32, i32) {
    %c0_i32 = arith.constant 0 : i32
    %c0_i32_0 = arith.constant 0 : i32
    return %arg0, %c0_i32 : i32, i32
  }
  func.func @transform_1(%arg0: i32) -> (i32, i32) {
    %c0_i32 = arith.constant 0 : i32
    %c0_i32_0 = arith.constant 0 : i32
    return %arg0, %c0_i32 : i32, i32
  }
  func.func @transform_2(%arg0: i32) -> (i32, i32) {
    %c0_i32 = arith.constant 0 : i32
    %c0_i32_0 = arith.constant 0 : i32
    return %arg0, %c0_i32 : i32, i32
  }
  func.func @transform_3(%arg0: i32) -> (i32, i32) {
    %c0_i32 = arith.constant 0 : i32
    %c0_i32_0 = arith.constant 0 : i32
    %c0_i32_1 = arith.constant 0 : i32
    return %c0_i32, %c0_i32_0 : i32, i32
  }
  func.func @transform_4(%arg0: i32) -> (i32, i32) {
    %c0_i32 = arith.constant 0 : i32
    %c0_i32_0 = arith.constant 0 : i32
    %c0_i32_1 = arith.constant 0 : i32
    return %c0_i32, %c0_i32_0 : i32, i32
  }
  func.func @transform_5(%arg0: i32) -> (i32, i32) {
    %c0_i32 = arith.constant 0 : i32
    %c0_i32_0 = arith.constant 0 : i32
    %c0_i32_1 = arith.constant 0 : i32
    return %c0_i32, %c0_i32_0 : i32, i32
  }
  func.func @transform_6(%arg0: i32) -> (i32, i32) {
    %c0_i32 = arith.constant 0 : i32
    %c0_i32_0 = arith.constant 0 : i32
    %c0_i32_1 = arith.constant 0 : i32
    return %c0_i32, %c0_i32_0 : i32, i32
  }
  func.func @transform_7(%arg0: i32) -> (i32, i32) {
    %c0_i32 = arith.constant 0 : i32
    %c0_i32_0 = arith.constant 0 : i32
    return %arg0, %c0_i32 : i32, i32
  }
}

module attributes {stable_mosaic.version = 14 : i64} {
  func.func @_node_mlp_body(%arg0: i32, %arg1: memref<2000x128xf32, #tpu.memory_space<vmem>>, %arg2: memref<2x2000x128xf32, #tpu.memory_space<vmem>>, %arg3: memref<128x128xf32, #tpu.memory_space<vmem>>, %arg4: memref<128x128xf32, #tpu.memory_space<vmem>>, %arg5: memref<1x128xf32, #tpu.memory_space<vmem>>, %arg6: memref<128x128xf32, #tpu.memory_space<vmem>>, %arg7: memref<1x128xf32, #tpu.memory_space<vmem>>, %arg8: memref<2000x128xf32, #tpu.memory_space<vmem>>) attributes {dimension_semantics = [#tpu.dimension_semantics<arbitrary>], iteration_bounds = array<i64: 5>, scalar_prefetch = 0 : i64, scratch_operands = 0 : i64, tpu.core_type = #tpu.core_type<tc>, window_params = [{transform_indices = @transform_0, window_bounds = array<i64: 2000, 128>}, {transform_indices = @transform_1, window_bounds = array<i64: 2, 2000, 128>}, {pipeline_mode = #tpu.pipeline_mode<synchronous>, transform_indices = @transform_2, window_bounds = array<i64: 128, 128>}, {pipeline_mode = #tpu.pipeline_mode<synchronous>, transform_indices = @transform_3, window_bounds = array<i64: 128, 128>}, {pipeline_mode = #tpu.pipeline_mode<synchronous>, transform_indices = @transform_4, window_bounds = array<i64: 1, 128>}, {pipeline_mode = #tpu.pipeline_mode<synchronous>, transform_indices = @transform_5, window_bounds = array<i64: 128, 128>}, {pipeline_mode = #tpu.pipeline_mode<synchronous>, transform_indices = @transform_6, window_bounds = array<i64: 1, 128>}, {transform_indices = @transform_7, window_bounds = array<i64: 2000, 128>}]} {
    %get3A = arith.constant 0 : index
    %get3A_0 = arith.constant 0 : index
    %get3A_1 = arith.constant 0 : index
    %get3A_2 = vector.load %arg2[%get3A, %get3A_0, %get3A_1] : memref<2x2000x128xf32, #tpu.memory_space<vmem>>, vector<2x2000x128xf32>
    %reduce_sum3A = arith.constant dense<0.000000e+00> : vector<2000x128xf32>
    %reduce_sum3A_3 = vector.multi_reduction <add>, %get3A_2, %reduce_sum3A [0] : vector<2x2000x128xf32> to vector<2000x128xf32>
    %get3A_4 = arith.constant 0 : index
    %get3A_5 = arith.constant 0 : index
    %get3A_6 = vector.load %arg1[%get3A_4, %get3A_5] : memref<2000x128xf32, #tpu.memory_space<vmem>>, vector<2000x128xf32>
    %get3A_7 = arith.constant 0 : index
    %get3A_8 = arith.constant 0 : index
    %get3A_9 = vector.load %arg3[%get3A_7, %get3A_8] : memref<128x128xf32, #tpu.memory_space<vmem>>, vector<128x128xf32>
    %dot_general3A = arith.constant dense<0.000000e+00> : vector<2000x128xf32>
    %dot_general3A_10 = tpu.matmul %get3A_6, %get3A_9, %dot_general3A {dimension_numbers = #tpu.dot_dimension_numbers<[1], [0], [0], [1], [0, 0, 1, 1], [], []>, transpose_lhs_hint = false} : vector<2000x128xf32>, vector<128x128xf32>, vector<2000x128xf32> -> vector<2000x128xf32>
    %get3A_11 = arith.constant 0 : index
    %get3A_12 = arith.constant 0 : index
    %get3A_13 = vector.load %arg4[%get3A_11, %get3A_12] : memref<128x128xf32, #tpu.memory_space<vmem>>, vector<128x128xf32>
    %dot_general3A_14 = arith.constant dense<0.000000e+00> : vector<2000x128xf32>
    %dot_general3A_15 = tpu.matmul %reduce_sum3A_3, %get3A_13, %dot_general3A_14 {dimension_numbers = #tpu.dot_dimension_numbers<[1], [0], [0], [1], [0, 0, 1, 1], [], []>, transpose_lhs_hint = false} : vector<2000x128xf32>, vector<128x128xf32>, vector<2000x128xf32> -> vector<2000x128xf32>
    %add3A = arith.addf %dot_general3A_10, %dot_general3A_15 : vector<2000x128xf32>
    %get3A_16 = arith.constant 0 : index
    %get3A_17 = arith.constant 0 : index
    %get3A_18 = vector.load %arg5[%get3A_16, %get3A_17] : memref<1x128xf32, #tpu.memory_space<vmem>>, vector<1x128xf32>
    %add3A_19 = vector.broadcast %get3A_18 : vector<1x128xf32> to vector<2000x128xf32>
    %add3A_20 = arith.addf %add3A, %add3A_19 : vector<2000x128xf32>
    %max3A = arith.constant 0.000000e+00 : f32
    %max3A_21 = vector.broadcast %max3A : f32 to vector<2000x128xf32>
    %max3A_22 = arith.maximumf %add3A_20, %max3A_21 : vector<2000x128xf32>
    %get3A_23 = arith.constant 0 : index
    %get3A_24 = arith.constant 0 : index
    %get3A_25 = vector.load %arg6[%get3A_23, %get3A_24] : memref<128x128xf32, #tpu.memory_space<vmem>>, vector<128x128xf32>
    %dot_general3A_26 = arith.constant dense<0.000000e+00> : vector<2000x128xf32>
    %dot_general3A_27 = tpu.matmul %max3A_22, %get3A_25, %dot_general3A_26 {dimension_numbers = #tpu.dot_dimension_numbers<[1], [0], [0], [1], [0, 0, 1, 1], [], []>, transpose_lhs_hint = false} : vector<2000x128xf32>, vector<128x128xf32>, vector<2000x128xf32> -> vector<2000x128xf32>
    %get3A_28 = arith.constant 0 : index
    %get3A_29 = arith.constant 0 : index
    %get3A_30 = vector.load %arg7[%get3A_28, %get3A_29] : memref<1x128xf32, #tpu.memory_space<vmem>>, vector<1x128xf32>
    %add3A_31 = vector.broadcast %get3A_30 : vector<1x128xf32> to vector<2000x128xf32>
    %add3A_32 = arith.addf %dot_general3A_27, %add3A_31 : vector<2000x128xf32>
    %swap3A = arith.constant 0 : index
    %swap3A_33 = arith.constant 0 : index
    %swap3A_34 = vector.load %arg8[%swap3A, %swap3A_33] : memref<2000x128xf32, #tpu.memory_space<vmem>>, vector<2000x128xf32>
    tpu.vector_store %arg8[%swap3A, %swap3A_33], %add3A_32 {strides = array<i32>} : memref<2000x128xf32, #tpu.memory_space<vmem>>, vector<2000x128xf32>,
    return
  }
  func.func @transform_0(%arg0: i32) -> (i32, i32) {
    %c0_i32 = arith.constant 0 : i32
    %c0_i32_0 = arith.constant 0 : i32
    return %arg0, %c0_i32 : i32, i32
  }
  func.func @transform_1(%arg0: i32) -> (i32, i32, i32) {
    %c0_i32 = arith.constant 0 : i32
    %c0_i32_0 = arith.constant 0 : i32
    %c0_i32_1 = arith.constant 0 : i32
    return %c0_i32, %arg0, %c0_i32_0 : i32, i32, i32
  }
  func.func @transform_2(%arg0: i32) -> (i32, i32) {
    %c0_i32 = arith.constant 0 : i32
    %c0_i32_0 = arith.constant 0 : i32
    %c0_i32_1 = arith.constant 0 : i32
    return %c0_i32, %c0_i32_0 : i32, i32
  }
  func.func @transform_3(%arg0: i32) -> (i32, i32) {
    %c0_i32 = arith.constant 0 : i32
    %c0_i32_0 = arith.constant 0 : i32
    %c0_i32_1 = arith.constant 0 : i32
    return %c0_i32, %c0_i32_0 : i32, i32
  }
  func.func @transform_4(%arg0: i32) -> (i32, i32) {
    %c0_i32 = arith.constant 0 : i32
    %c0_i32_0 = arith.constant 0 : i32
    %c0_i32_1 = arith.constant 0 : i32
    return %c0_i32, %c0_i32_0 : i32, i32
  }
  func.func @transform_5(%arg0: i32) -> (i32, i32) {
    %c0_i32 = arith.constant 0 : i32
    %c0_i32_0 = arith.constant 0 : i32
    %c0_i32_1 = arith.constant 0 : i32
    return %c0_i32, %c0_i32_0 : i32, i32
  }
  func.func @transform_6(%arg0: i32) -> (i32, i32) {
    %c0_i32 = arith.constant 0 : i32
    %c0_i32_0 = arith.constant 0 : i32
    %c0_i32_1 = arith.constant 0 : i32
    return %c0_i32, %c0_i32_0 : i32, i32
  }
  func.func @transform_7(%arg0: i32) -> (i32, i32) {
    %c0_i32 = arith.constant 0 : i32
    %c0_i32_0 = arith.constant 0 : i32
    return %arg0, %c0_i32 : i32, i32
  }
}

</mosaic_0001>

<sc_bundles>
// kernel: kernel.10.cloned.1.call-start
scs
__scs_entry_jumppad:
0x0: {  	(pc) =	sbr.rel $0x88, $3  }
0x1: {  	(tag) =	ssettag $0x0;
	lr =	simm.s32 $0x1  }
0x2: {  	[smem:$0x3F96] =	sst lr;
	_ =	strace $0xD0000000  }
0x3: {  	_ = 	snop  }
0x4: {  	_ = 	snop  }
0x5: {  	_ = 	snop  }
0x6: {  	_ = 	snop  }
0x7: {  	_ = 	snop  }
__scs_overlays_trampoline_lowered:
0x8: {  	[smem:$0x3FA5] =	sst s0  }
0x9: {  	[smem:$0x3FA6] =	sst s1  }
0xa: {  	[smem:$0x3FA7] =	sst s2  }
0xb: {  	[smem:$0x3FA8] =	sst s3  }
0xc: {  	[smem:$0x3FA9] =	sst s4  }
0xd: {  	[smem:$0x3FAA] =	sst s5  }
0xe: {  	[smem:$0x3FAB] =	sst s6  }
0xf: {  	[smem:$0x3FAC] =	sst s7  }
0x10: {  	[smem:$0x3FAD] =	sst s8  }
0x11: {  	[smem:$0x3FAE] =	sst s9;
	s0 =	simm.s32 @!p0 $0x0  }
0x12: {  	s1 =	sld [smem:$0x3F94];
	s0 =	simm.s32 @p0 $0x1  }
0x13: {  	[smem:$0x3FAF] =	sst s0;
	s0 =	simm.s32 @!p1 $0x0  }
0x14: {  	s2 =	sld [smem:$0x3F93];
	s0 =	simm.s32 @p1 $0x1  }
0x15: {  	[smem:$0x3FB0] =	sst s0;
	s0 =	simm.s32 @!p2 $0x0  }
0x16: {  	s3 =	sld [smem:$0x3FDB];
	s0 =	simm.s32 @p2 $0x1  }
0x17: {  	s4 =	simm.s32 $0x1BF5;
	[smem:$0x3FB2] =	sst s0  }
0x18: {  	s0 =	sld [smem:$0x3F95];
	_ =	swait.ge [sflag:s4], $0x0  }
0x19: {  	s7 =	sld [smem:$0x3F96]  }
0x1a: {  	s8 =	sadd.s32 $0xFFFFE003, lr  }
0x1b: {  	s9 =	sadd.s32 $0xFFFFFEF7, lr;
	s5 =	simm.s32 $0xFFFFFFFF;
	p2 =	slt.u32 s8, $0xFFFFF086  }
0x1c: {  	p1 =	slt.u32 s9, $0xF7A;
	s5 =	simm.s32 @!p2 $0x0  }
0x1d: {  	s5 =	simm.s32 @p1 $0x1;
	p0 =	seq.s32 s7, s2  }
0x1e: {  	s7 =	smul.u32 @!p0 $0xF7A, s2;
	p2 =	seq.s32 @!p0 s5, $0x0  }
0x1f: {  	s9 =	smul.u32 $0xF7A, s1;
	s8 =	simm.s32 @!p0 $0x1BF5;
	p2 =	por !p2, p0  }
0x20: {  	[sflag:s8] =	ssyncset.s32 @!p0 $0xFFFFF086;
	s6 =	sadd.s32 @!p0 s3, s7;
	s7 =	simm.s32 @!p0 $0x108  }
0x21: {  	s3 =	sadd.s32 s3, s9;
	s6 =	sadd.s32 @!p0 $0x88, s6;
	s7 =	simm.s32 @p2 $0x1082  }
0x22: {  	[simem:s7], [sflag:s8] =	dma.local @!p0 [hbm:s6], $0xF7A  }
0x23: {  	s9 =	sor.u32 $0xD0000000, s2;
	s6 =	simm.s32 $0x108;
	_ =	swait.ge @!p0 [sflag:s8], $0x0  }
0x24: {  	s3 =	sadd.s32 $0x88, s3;
	s6 =	simm.s32 @!p1 $0x1082;
	[sflag:s4] =	ssyncset.s32 $0xFFFFF086  }
0x25: {  	[simem:s6], [sflag:s4] =	dma.local [hbm:s3], $0xF7A  }
0x26: {  	[smem:$0x3F96] =	sst s1;
	(tag) =	ssettag s2;
	_ =	strace s9  }
0x27: {  	s1 =	sld [smem:$0x3FA6]  }
0x28: {  	s2 =	sld [smem:$0x3FA7]  }
0x29: {  	s4 =	sld [smem:$0x3FA9]  }
0x2a: {  	p0 =	seq.s32 s5, $0x0;
	s5 =	sld [smem:$0x3FAA]  }
0x2b: {  	s6 =	sld [smem:$0x3FAB]  }
0x2c: {  	s7 =	sld [smem:$0x3FAC]  }
0x2d: {  	s3 =	simm.s32 $0x108;
	s8 =	sld [smem:$0x3FAD]  }
0x2e: {  	s3 =	simm.s32 @!p0 $0x1082;
	s9 =	sld [smem:$0x3FAE]  }
0x2f: {  	lr =	sadd.s32 s0, s3;
	s0 =	sld [smem:$0x3FA5]  }
0x30: {  	s3 =	sld [smem:$0x3FA8]  }
0x31: {  	[smem:$0x3FB1] =	sst s10  }
0x32: {  	s10 =	sld [smem:$0x3FAF];
	_ =	sdelay $0x3  }
0x33: {  	p0 =	seq.s32 s10, $0x1;
	s10 =	sld [smem:$0x3FB1];
	_ =	sdelay $0x3  }
0x34: {  	[smem:$0x3FB1] =	sst s10  }
0x35: {  	s10 =	sld [smem:$0x3FB0];
	_ =	sdelay $0x3  }
0x36: {  	p1 =	seq.s32 s10, $0x1;
	s10 =	sld [smem:$0x3FB1];
	_ =	sdelay $0x3  }
0x37: {  	[smem:$0x3FB1] =	sst s10  }
0x38: {  	s10 =	sld [smem:$0x3FB2]  }
0x39: {  	_ = 	snop;
	(pc) =	sbr.ind lr, $3  }
0x3a: {  	_ = 	snop  }
0x3b: {  	_ = 	snop  }
0x3c: {  	p2 =	seq.s32 s10, $0x1;
	s10 =	sld [smem:$0x3FB1]  }
0x3d: {  	_ =	shalt  }
0x3e: {  	_ =	shalt  }
0x3f: {  	_ =	shalt  }
0x40: {  	_ =	shalt  }
0x41: {  	_ =	shalt  }
0x42: {  	_ =	shalt  }
0x43: {  	_ =	shalt  }
0x44: {  	_ =	shalt  }
0x45: {  	_ =	shalt  }
0x46: {  	_ =	shalt  }
0x47: {  	_ =	shalt  }
0x48: {  	_ =	shalt  }
0x49: {  	_ =	shalt  }
0x4a: {  	_ =	shalt  }
0x4b: {  	_ =	shalt  }
0x4c: {  	_ =	shalt  }
0x4d: {  	_ =	shalt  }
0x4e: {  	_ =	shalt  }
0x4f: {  	_ =	shalt  }
0x50: {  	_ =	shalt  }
0x51: {  	_ =	shalt  }
0x52: {  	_ =	shalt  }
0x53: {  	_ =	shalt  }
0x54: {  	_ =	shalt  }
0x55: {  	_ =	shalt  }
0x56: {  	_ =	shalt  }
0x57: {  	_ =	shalt  }
0x58: {  	_ =	shalt  }
0x59: {  	_ =	shalt  }
0x5a: {  	_ =	shalt  }
0x5b: {  	_ =	shalt  }
0x5c: {  	_ =	shalt  }
0x5d: {  	_ =	shalt  }
0x5e: {  	_ =	shalt  }
0x5f: {  	_ =	shalt  }
0x60: {  	_ =	shalt  }
0x61: {  	_ =	shalt  }
0x62: {  	_ =	shalt  }
0x63: {  	_ =	shalt  }
0x64: {  	_ =	shalt  }
0x65: {  	_ =	shalt  }
0x66: {  	_ =	shalt  }
0x67: {  	_ =	shalt  }
0x68: {  	_ =	shalt  }
0x69: {  	_ =	shalt  }
0x6a: {  	_ =	shalt  }
0x6b: {  	_ =	shalt  }
0x6c: {  	_ =	shalt  }
0x6d: {  	_ =	shalt  }
0x6e: {  	_ =	shalt  }
0x6f: {  	_ =	shalt  }
0x70: {  	_ =	shalt  }
0x71: {  	_ =	shalt  }
0x72: {  	_ =	shalt  }
0x73: {  	_ =	shalt  }
0x74: {  	_ =	shalt  }
0x75: {  	_ =	shalt  }
0x76: {  	_ =	shalt  }
0x77: {  	_ =	shalt  }
0x78: {  	_ =	shalt  }
0x79: {  	_ =	shalt  }
0x7a: {  	_ =	shalt  }
0x7b: {  	_ =	shalt  }
0x7c: {  	_ =	shalt  }
0x7d: {  	_ =	shalt  }
0x7e: {  	_ =	shalt  }
0x7f: {  	_ =	shalt  }
0x80: {  	_ =	shalt  }
0x81: {  	_ =	shalt  }
0x82: {  	_ =	shalt  }
0x83: {  	_ =	shalt  }
0x84: {  	_ =	shalt  }
0x85: {  	_ =	shalt  }
0x86: {  	_ =	shalt  }
0x87: {  	_ =	shalt  }
.Lfunc_end0:
.L_simem_size_0:
called_computation.1_lowered:
.L_overlay_start_0:
0x88: {  	s2 =	sld [smem:$0x3FD9]  }
0x89: {  	s3 =	sld [smem:$0x3FFE];
	_ =	sdelay $0x1  }
0x8a: {  	s1 =	srdreg.scid  }
0x8b: {  	s0 =	sand.u32 $0x1, s1  }
0x8c: {  	s16 =	sshll.u32 s0, $0xA;
	s2 =	sadd.s32 s3, s2  }
0x8d: {  	s2 =	sadd.s32 s2, s16  }
0x8e: {  	[smem:$0x3FBD] =	sst s2  }
0x8f: {  	_ = 	snop  }
0x90: {  	(tm) =	ssettm $0x1  }
0x91: {  	s17 =	sld [smem:$0x3FFB];
	_ =	sdelay $0x3  }
0x92: {  	_ =	strace s17  }
0x93: {  	s2 =	sld [smem:$0x3FFC];
	_ =	sdelay $0x3  }
0x94: {  	_ =	strace s2  }
0x95: {  	s2 =	sld [smem:$0x3FFD];
	_ =	sdelay $0x3  }
0x96: {  	_ =	strace s2  }
0x97: {  	_ =	strace $0x8FFFFFFF  }
0x98: {  	s18 =	sld [smem:$0x3FDB];
	_ =	sdelay $0x1  }
0x99: {  	s19 =	simm.s32 $_scs_section_size  }
0x9a: {  	s4 =	simm.s32 $_size__tile_overlayer_lowered;
	s5 =	simm.s32 $_tile_overlayer_lowered  }
0x9b: {  	s22 =	simm.s32 $0x1BFF;
	s21 =	sshll.u32 s5, $0x1;
	s2 =	sadd.s32 s19, s18  }
0x9c: {  	s6 =	simm.s32 $0x0;
	s20 =	sshll.u32 s4, $0x1;
	s4 =	sadd.s32 s21, s2  }
0x9d: {  	[timem:s6], [sflag:s22] =	dma.local [hbm:s4], s20  }
0x9e: {  	_ =	swait.ge [sflag:s22], s20  }
0x9f: {  	s3 =	ssub.s32 $0x0, s20;
	[sflag:s22] =	ssyncset.done $0x0  }
0xa0: {  	[sflag:s22] =	ssyncadd.s32 s3;
	_ =	sdelay $0x1  }
0xa1: {  	s23 =	simm.s32 $0x1B8B  }
0xa2: {  	_ =	swait.ge [sflag:s23], $0x1  }
0xa3: {  	[sflag:s23] =	ssyncset.done $0x0  }
0xa4: {  	s25 =	simm.s32 $0x1B8E;
	s24 =	sld [smem:$0x3FFE];
	[sflag:s23] =	ssyncadd.s32 $0xFFFFFFFF  }
0xa5: {  	s26 =	simm.s32 $execute0_lowered;
	[smem:$0x3FD2] =	sst s25  }
0xa6: {  	s4 =	sshll.u32 s26, $0x1;
	_ =	strace $0x80000049;
	[dreg:$0x1] =	wrdreg $0xFFFFFFFF  }
0xa7: {  	s28 =	simm.s32 $_size_execute0_lowered;
	s2 =	sadd.s32 s2, s4;
	[dreg:$0x0] =	wrdreg $0x0  }
0xa8: {  	s4 =	sshll.u32 s28, $0x1;
	[dreg:$0x2] =	wrdreg s2  }
0xa9: {  	[dreg:$0x3] =	wrdreg s4  }
0xaa: {  	[dreg:$0x4] =	wrdreg $0xC0  }
0xab: {  	_ =	task [dreg:s6], $0x5FFFF  }
0xac: {  	[dreg:$0x1] =	wrdreg $0xFFFFFFFF  }
0xad: {  	[dreg:$0x0] =	wrdreg $0x60  }
0xae: {  	[dreg:$0x2] =	wrdreg s24  }
0xaf: {  	[dreg:$0x3] =	wrdreg $0x90000  }
0xb0: {  	[dreg:$0x4] =	wrdreg $0x9  }
0xb1: {  	_ =	task.clear_ibuf [dreg:s6], $0x5FFFF;
	_ =	strace $0x90000049  }
0xb2: {  	s29 =	simm.s32 $0x9;
	_ =	strace $0x8000004B  }
0xb3: {  	_ =	swait.ge [sflag:s29], $0x1  }
0xb4: {  	[sflag:s29] =	ssyncadd.s32 $0xFFFFFFFF  }
0xb5: {  	_ =	strace $0x9000004B  }
0xb6: {  	_ =	sfence  }
0xb7: {  	s30 =	sld [smem:$0x0];
	_ =	sdelay $0x2  }
0xb8: {  	s31 =	sshll.u32 s1, $0xD;
	s1 =	sshrl.u32 s1, $0x2  }
0xb9: {  	s3 =	sand.u32 $0x4000, s31;
	s1 =	sadd.s32 s1, s30  }
0xba: {  	s0 =	sor.u32 s3, s0;
	s1 =	sshll.u32 s1, $0x11  }
0xbb: {  	s0 =	sor.u32 s1, s0  }
0xbc: {  	s0 =	sadd.s32 $0x8F2B, s0  }
0xbd: {  	[sflag:s0] =	ssyncadd.remote.s32 $0x1  }
0xbe: {  	_ =	sfence.sel $0xFFFF  }
0xbf: {  	[dreg:$0x0] =	wrdreg $0xFFFFFFFF;
	(pc) =	sbr.abs _section_cstart, $3  }
0xc0: {  	[dreg:$0x1] =	wrdreg $0xFFFFFFFF  }
0xc1: {  	_ =	task.clear_ibuf [dreg:s6], $0x2FFFF;
	_ =	strace $0x9FFFFFFF  }
0xc2: {  	(tm) =	ssettm $0x7FFFFFFF  }
0xc3: {  	_ =	shalt  }
tec
execute0_lowered:
.L_overlay_start_1:
0x0: {  	(tag) =	ssettag $0x1  }
0x1: {  	s4 =	rddreg [dreg:$0x0]  }
0x2: {  	s2 =	rddreg [dreg:$0x1];
	s3 =	simm.s32 $0x0  }
0x3: {  	s5 =	srdreg.scid;
	s0 =	stileid.u32;
	s24 =	simm.s32 $0x0  }
0x4: {  	[smem:$0x7FF] =	sst s3;
	s26 =	smul.u32 $0x4E000, s0;
	s16 =	sadd.s32 $0xF01200, s4  }
0x5: {  	s15 =	sand.u32 $0x1, s5;
	s17 =	sadd.s32 $0xA1F200, s4;
	s20 =	smul.u32 $0x13800, s0  }
0x6: {  	s12 =	sadd.s32 $0x138000, s2;
	s21 =	smul.u32 $0x4E200, s0;
	p0 =	sne.s32 s0, $0xF  }
0x7: {  	s25 =	sshll.u32 s0, $0x1;
	_ =	strace $0x8000004A;
	s19 =	smul.u32 $0x138800, s15  }
0x8: {  	s9 =	sor.u32 s15, s25;
	s28 =	ssub.s32 $0x2, s15;
	s22 =	smul.u32 $0x27100, s15  }
0x9: {  	s6 =	sshll.u32 s9, $0xB;
	s5 =	sshrl.u32 s26, $0x2;
	s7 =	sshrl.u32 s28, $0x1  }
0xa: {  	s14 =	smul.u32 $0x27100, s9;
	s30 =	sadd.s32 s21, s16;
	s21 =	simm.s32 $0x50  }
0xb: {  	s13 =	sadd.s32 s6, s4;
	s4 =	sadd.s32 s5, s2;
	s18 =	ssub.s32 s28, s7  }
0xc: {  	s20 =	sadd.s32 s20, s19;
	s19 =	sshrl.u32 s19, $0x3;
	s31 =	sadd.s32 s22, s30  }
0xd: {  	s22 =	simm.s32 $0x1;
	s5 =	sadd.s32 $0x2800, s4;
	s6 =	sadd.s32 $0x5000, s4  }
0xe: {  	s7 =	sadd.s32 $0x7800, s4;
	s8 =	sadd.s32 $0xA000, s4;
	s9 =	sadd.s32 $0xC800, s4  }
0xf: {  	s10 =	sadd.s32 $0xF000, s4;
	s11 =	sadd.s32 $0x11800, s4;
	s13 =	sadd.s32 $0xA0F200, s13  }
0x10: {  	s14 =	sadd.s32 s16, s14;
	s29 =	sshrl.u32 s20, $0x3;
	s19 =	sadd.s32 s17, s19  }
0x11: {  	s20 =	simm.s32 $0x3;
	s15 =	sadd.s32 s17, s29;
	s16 =	sadd.s32 $0x27000, s19  }
0x12: {  	v0 =	vimm.f32 $0.0e+00;
	s17 =	smax.u32 s18, $0x1;
	s18 =	sadd.s32 $0x500, s31;
	s19 =	simm.s32 $0x4000  }
.LBB2_1:
0x13: {  	s25 =	simm.s32 $0x0;
	s26 =	simm.s32 $0x200  }
.LBB2_2:
0x14: {  	p1 =	sne.s32 s26, $0x9E00;
	[tilespmem:s25+$0x4070] =	vst v0  }
0x15: {  	[tilespmem:s25+$0x4000] =	vst v0  }
0x16: {  	[tilespmem:s25+$0x4010] =	vst v0  }
.Ltmp0:
0x17: {  	[tilespmem:s25+$0x4020] =	vst v0;
	(pc) =	sbr.rel @p1 .LBB2_2-.Ltmp0, $4  }
0x18: {  	[tilespmem:s25+$0x4030] =	vst v0  }
0x19: {  	[tilespmem:s25+$0x4040] =	vst v0  }
0x1a: {  	[tilespmem:s25+$0x4050] =	vst v0  }
0x1b: {  	[tilespmem:s25+$0x4060] =	vst v0;
	s25 =	sshra.s32 s26, $0x2;
	s26 =	sadd.s32 $0x200, s26  }
0x1c: {  	[tilespmem:s25+$0x4070] =	vst v0  }
0x1d: {  	[tilespmem:s25+$0x4000] =	vst v0  }
0x1e: {  	[tilespmem:s25+$0x4010] =	vst v0  }
0x1f: {  	[tilespmem:s25+$0x4020] =	vst v0  }
0x20: {  	[tilespmem:s25+$0x4030] =	vst v0  }
0x21: {  	[tilespmem:s25+$0x4040] =	vst v0  }
0x22: {  	[tilespmem:s25+$0x4050] =	vst v0  }
0x23: {  	[tilespmem:s25+$0x4060] =	vst v0  }
0x24: {  	[spmem:s4] =	stream.linear.scatter [tilespmem:s19], [sflag:$0x3], $0x2800, $0x38;
	[tilespmem:$0x1C880] =	vst v63  }
0x25: {  	_ =	swait.ge [sflag:s20], $0x2800  }
0x26: {  	[sflag:s20] =	ssyncset.done $0x0  }
0x27: {  	[sflag:s20] =	ssyncadd.s32 $0xFFFFD800  }
0x28: {  	[spmem:s5] =	stream.linear.scatter [tilespmem:s19], [sflag:$0x3], $0x2800, $0x38;
	[tilespmem:$0x1C880] =	vst v63  }
0x29: {  	_ =	swait.ge [sflag:s20], $0x2800  }
0x2a: {  	[sflag:s20] =	ssyncset.done $0x0  }
0x2b: {  	[sflag:s20] =	ssyncadd.s32 $0xFFFFD800  }
0x2c: {  	[spmem:s6] =	stream.linear.scatter [tilespmem:s19], [sflag:$0x3], $0x2800, $0x38;
	[tilespmem:$0x1C880] =	vst v63  }
0x2d: {  	_ =	swait.ge [sflag:s20], $0x2800  }
0x2e: {  	[sflag:s20] =	ssyncset.done $0x0  }
0x2f: {  	[sflag:s20] =	ssyncadd.s32 $0xFFFFD800  }
0x30: {  	[spmem:s7] =	stream.linear.scatter [tilespmem:s19], [sflag:$0x3], $0x2800, $0x38;
	[tilespmem:$0x1C880] =	vst v63  }
0x31: {  	_ =	swait.ge [sflag:s20], $0x2800  }
0x32: {  	[sflag:s20] =	ssyncset.done $0x0  }
0x33: {  	[sflag:s20] =	ssyncadd.s32 $0xFFFFD800  }
0x34: {  	[spmem:s8] =	stream.linear.scatter [tilespmem:s19], [sflag:$0x3], $0x2800, $0x38;
	[tilespmem:$0x1C880] =	vst v63  }
0x35: {  	_ =	swait.ge [sflag:s20], $0x2800  }
0x36: {  	[sflag:s20] =	ssyncset.done $0x0  }
0x37: {  	[sflag:s20] =	ssyncadd.s32 $0xFFFFD800  }
0x38: {  	[spmem:s9] =	stream.linear.scatter [tilespmem:s19], [sflag:$0x3], $0x2800, $0x38;
	[tilespmem:$0x1C880] =	vst v63  }
0x39: {  	_ =	swait.ge [sflag:s20], $0x2800  }
0x3a: {  	[sflag:s20] =	ssyncset.done $0x0  }
0x3b: {  	[sflag:s20] =	ssyncadd.s32 $0xFFFFD800  }
0x3c: {  	[spmem:s10] =	stream.linear.scatter [tilespmem:s19], [sflag:$0x3], $0x2800, $0x38;
	[tilespmem:$0x1C880] =	vst v63  }
0x3d: {  	_ =	swait.ge [sflag:s20], $0x2800  }
0x3e: {  	[sflag:s20] =	ssyncset.done $0x0  }
0x3f: {  	[sflag:s20] =	ssyncadd.s32 $0xFFFFD800  }
0x40: {  	[spmem:s11] =	stream.linear.scatter [tilespmem:s19], [sflag:$0x3], $0x2000, $0x38;
	[tilespmem:$0x1C880] =	vst v63  }
0x41: {  	_ =	swait.ge [sflag:s20], $0x2000  }
0x42: {  	[sflag:s20] =	ssyncset.done $0x0  }
0x43: {  	s25 =	simm.s32 @!p0 $0x4000;
	[sflag:s20] =	ssyncadd.s32 $0xFFFFE000  }
0x44: {  	[spmem:s12] =	stream.linear.scatter @!p0 [tilespmem:s25], [sflag:$0x3], $0x800, $0x38;
	[tilespmem:$0x1C880] =	vst v63  }
0x45: {  	s25 =	simm.s32 @!p0 $0x3  }
0x46: {  	_ =	swait.ge @!p0 [sflag:s25], $0x800  }
0x47: {  	[sflag:s25] =	ssyncset.done @!p0 $0x0  }
0x48: {  	[sflag:s25] =	ssyncadd.s32 @!p0 $0xFFFFF800  }
0x49: {  	s1 =	simm.s32 $0x0;
	s26 =	simm.s32 $0x0;
	[bflag:$0x0] =	sbarrier.arrive $0xFFFF  }
0x4a: {  	[tilespmem:s1], [sflag:$0x3] =	stream.linear.gather [hbm4b:s13+s1], $0x3E80, $0x38;
	[tilespmem:$0x1C880] =	vst v63  }
0x4b: {  	s28 =	simm.s32 $0x1;
	s26 =	sand.u32 $0x1, s26;
	_ =	swait.ge [sflag:s20], $0x3E80  }
0x4c: {  	s28 =	sand.u32 $0x1, s28;
	s29 =	smul.u32 $0xA000, s26;
	[sflag:s20] =	ssyncset.done $0x0  }
0x4d: {  	s26 =	sadd.s32 $0x1, s26;
	s30 =	smul.u32 $0xA000, s28;
	[sflag:s20] =	ssyncadd.s32 $0xFFFFC180  }
0x4e: {  	[tilespmem:s19], [sflag:$0x1] =	stream.linear.gather [hbm4b:s14+s1], $0x2800, $0x38;
	[tilespmem:$0x1C880] =	vst v63  }
0x4f: {  	_ =	swait.ge [sflag:s26], $0x2800  }
0x50: {  	s23 =	sadd.s32 $0x1, s28;
	s30 =	sshrl.u32 s30, $0x2;
	[sflag:s26] =	ssyncset.done $0x0  }
0x51: {  	s29 =	sshrl.u32 s29, $0x2;
	s28 =	sor.u32 $0x4000, s30;
	[sflag:s26] =	ssyncadd.s32 $0xFFFFD800  }
0x52: {  	[tilespmem:s28], [sflag:s23] =	stream.linear.gather [hbm4b:s18+s3], $0x2800, $0x38;
	[tilespmem:$0x1C880] =	vst v63  }
0x53: {  	s31 =	sor.u32 $0x4000, s29;
	s29 =	simm.s32 $0x3;
	s25 =	simm.s32 $0x80  }
0x54: {  	[spmem:s2] =	stream.indirect.scatter.add.f32 [tilespmem:s31], [sflag:$0x3], $0x80, s1, s21, $0xb8;
	[tilespmem:$0x1C880] =	vst v63  }
0x55: {  	s26 =	sadd.s32 $0x500, s18;
	s28 =	simm.s32 $0x2;
	_ =	swait.ge [sflag:s20], $0x2800  }
.LBB2_4:
0x56: {  	s30 =	sadd.s32 $0xFFFFFFFF, s28  }
0x57: {  	[sflag:s20] =	ssyncset.done $0x0;
	s31 =	smov.u32 s29;
	s0 =	sadd.s32 $0x1, s29  }
0x58: {  	s1 =	sand.u32 $0x1, s28;
	s30 =	sand.u32 $0x1, s30;
	[sflag:s20] =	ssyncadd.s32 $0xFFFFD800  }
0x59: {  	p1 =	sne.s32 s29, $0x7C;
	s29 =	sadd.s32 $0x1, s30;
	s30 =	smul.u32 $0xA000, s30  }
0x5a: {  	s23 =	smul.u32 $0xA000, s1;
	s28 =	smov.u32 s31;
	_ =	swait.ge [sflag:s29], $0x2800  }
0x5b: {  	s30 =	sshrl.u32 s30, $0x2;
	[sflag:s29] =	ssyncset.done $0x0  }
0x5c: {  	s1 =	sadd.s32 $0x1, s1;
	s23 =	sshrl.u32 s23, $0x2;
	[sflag:s29] =	ssyncadd.s32 $0xFFFFD800  }
.Ltmp1:
0x5d: {  	s23 =	sor.u32 $0x4000, s23;
	s29 =	sor.u32 $0x4000, s30;
	(pc) =	sbr.rel @p1 .LBB2_4-.Ltmp1, $4  }
0x5e: {  	[tilespmem:s23], [sflag:s1] =	stream.linear.gather [hbm4b:s26+s3], $0x2800, $0x38;
	[tilespmem:$0x1C880] =	vst v63  }
0x5f: {  	s26 =	sadd.s32 $0x500, s26  }
0x60: {  	[spmem:s2] =	stream.indirect.scatter.add.f32 [tilespmem:s29], [sflag:$0x3], $0x80, s25, s21, $0xb8;
	[tilespmem:$0x1C880] =	vst v63  }
0x61: {  	s25 =	sadd.s32 $0x80, s25;
	s29 =	smov.u32 s0;
	_ =	swait.ge [sflag:s20], $0x2800  }
0x62: {  	s0 =	sadd.s32 $0xFFFFFFFF, s28;
	s1 =	sand.u32 $0x1, s28  }
0x63: {  	[sflag:s20] =	ssyncset.done $0x0;
	s0 =	sand.u32 $0x1, s0;
	s28 =	smul.u32 $0xA000, s1  }
0x64: {  	[sflag:s20] =	ssyncadd.s32 $0xFFFFD800;
	s23 =	smul.u32 $0xA000, s0;
	s0 =	sadd.s32 $0x1, s0  }
0x65: {  	_ =	swait.ge [sflag:s0], $0x2800  }
0x66: {  	s30 =	sadd.s32 $0x1, s1;
	s28 =	sshrl.u32 s28, $0x2;
	[sflag:s0] =	ssyncset.done $0x0  }
0x67: {  	s23 =	sshrl.u32 s23, $0x2;
	s31 =	sor.u32 $0x4000, s28;
	[sflag:s0] =	ssyncadd.s32 $0xFFFFD800  }
0x68: {  	[tilespmem:s31], [sflag:s30] =	stream.linear.gather [hbm4b:s26+s3], $0x2800, $0x38;
	[tilespmem:$0x1C880] =	vst v63  }
0x69: {  	s28 =	sor.u32 $0x4000, s23  }
0x6a: {  	[spmem:s2] =	stream.indirect.scatter.add.f32 [tilespmem:s28], [sflag:$0x3], $0x80, s25, s21, $0xb8;
	[tilespmem:$0x1C880] =	vst v63  }
0x6b: {  	_ =	swait.ge [sflag:s20], $0x2800  }
0x6c: {  	[sflag:s20] =	ssyncset.done $0x0  }
0x6d: {  	[sflag:s20] =	ssyncadd.s32 $0xFFFFD800  }
0x6e: {  	_ =	swait.ge [sflag:s22], $0x2800  }
0x6f: {  	[sflag:s22] =	ssyncset.done $0x0  }
0x70: {  	s29 =	simm.s32 $0x3E00;
	[sflag:s22] =	ssyncadd.s32 $0xFFFFD800  }
0x71: {  	[spmem:s2] =	stream.indirect.scatter.add.f32 [tilespmem:s19], [sflag:$0x3], $0x80, s29, s21, $0xb8;
	[tilespmem:$0x1C880] =	vst v63  }
0x72: {  	_ =	swait.ge [sflag:s20], $0x2800  }
0x73: {  	s30 =	stileid.u32;
	[sflag:s20] =	ssyncset.done $0x0  }
0x74: {  	s0 =	sshll.u32 s30, $0x6;
	[sflag:s20] =	ssyncadd.s32 $0xFFFFD800  }
0x75: {  	s31 =	sshrl.u32 s4, $0x3;
	s0 =	sor.u32 $0x1C03, s0;
	[bflag:$0x0] =	sbarrier.arrive $0xFFFF  }
0x76: {  	[hbm:s15], [sflag:s0] =	dma.local [spmem:s31], $0x2700  }
0x77: {  	_ =	swait.ge [sflag:s20], $0x2700  }
0x78: {  	s24 =	sadd.s32 $0x1, s24;
	[sflag:s20] =	ssyncset.done $0x0  }
0x79: {  	s1 =	sshrl.u32 @!p0 s12, $0x3;
	p1 =	sne.s32 s24, s17;
	[sflag:s20] =	ssyncadd.s32 $0xFFFFD900  }
0x7a: {  	[hbm:s16], [sflag:s0] =	dma.local @!p0 [spmem:s1], $0x100  }
.Ltmp2:
0x7b: {  	_ = 	snop;
	(pc) =	sbr.rel @p1 .LBB2_1-.Ltmp2, $4  }
0x7c: {  	s0 =	simm.s32 @!p0 $0x3  }
0x7d: {  	_ =	swait.ge @!p0 [sflag:s0], $0x100  }
0x7e: {  	[sflag:s0] =	ssyncset.done @!p0 $0x0  }
0x7f: {  	[sflag:s0] =	ssyncadd.s32 @!p0 $0xFFFFFF00  }
0x80: {  	_ =	sfence.sel $0x180000  }
0x81: {  	[bflag:$0x0] =	sbarrier.arrive $0xFFFF  }
0x82: {  	_ =	strace $0x9000004A  }
0x83: {  	s0 =	stileid.u32;
	[bflag:$0x2] =	sbarrier.arrive $0xFFFF  }
0x84: {  	p0 =	sne.s32 s0, $0x0;
	s0 =	rddreg [dreg:$0x2]  }
0x85: {  	s0 =	sadd.s32 @!p0 $0x100000, s0  }
0x86: {  	[sflag:s0] =	ssyncadd.tile.s32 @!p0 $0x1;
	_ =	shalt  }
.Lfunc_end2:
_tile_overlayer_lowered:
.L_overlay_start_2:
0x87: {  	(tag) =	ssettag $0x2  }
0x88: {  	s0 =	rddreg [dreg:$0x0];
	s2 =	stileid.u32  }
0x89: {  	s1 =	rddreg [dreg:$0x1];
	p0 =	sne.s32 s2, $0x0  }
0x8a: {  	s3 =	rddreg [dreg:$0x2];
	[bflag:$0x3] =	sbarrier.arrive $0xFFFF;
	s2 =	simm.s32 @!p0 $0x1C03  }
0x8b: {  	[timem:s3], [sflag:s2] =	dma.local @!p0 [hbm:s0], s1  }
0x8c: {  	s0 =	simm.s32 @!p0 $0x3  }
0x8d: {  	_ =	swait.ge @!p0 [sflag:s0], s1  }
0x8e: {  	s1 =	ssub.s32 @!p0 $0x0, s1;
	[sflag:s0] =	ssyncset.done @!p0 $0x0  }
0x8f: {  	[sflag:s0] =	ssyncadd.s32 @!p0 s1  }
0x90: {  	[bflag:$0x3] =	sbarrier.arrive $0xFFFF  }
0x91: {  	_ =	shalt  }

// kernel: kernel.7.cloned.1.call-start
scs
__scs_entry_jumppad:
0x0: {  	(pc) =	sbr.rel $0x88, $3  }
0x1: {  	(tag) =	ssettag $0x0;
	lr =	simm.s32 $0x1  }
0x2: {  	[smem:$0x3F96] =	sst lr;
	_ =	strace $0xD0000000  }
0x3: {  	_ = 	snop  }
0x4: {  	_ = 	snop  }
0x5: {  	_ = 	snop  }
0x6: {  	_ = 	snop  }
0x7: {  	_ = 	snop  }
__scs_overlays_trampoline_lowered:
0x8: {  	[smem:$0x3FA5] =	sst s0  }
0x9: {  	[smem:$0x3FA6] =	sst s1  }
0xa: {  	[smem:$0x3FA7] =	sst s2  }
0xb: {  	[smem:$0x3FA8] =	sst s3  }
0xc: {  	[smem:$0x3FA9] =	sst s4  }
0xd: {  	[smem:$0x3FAA] =	sst s5  }
0xe: {  	[smem:$0x3FAB] =	sst s6  }
0xf: {  	[smem:$0x3FAC] =	sst s7  }
0x10: {  	[smem:$0x3FAD] =	sst s8  }
0x11: {  	[smem:$0x3FAE] =	sst s9;
	s0 =	simm.s32 @!p0 $0x0  }
0x12: {  	s1 =	sld [smem:$0x3F94];
	s0 =	simm.s32 @p0 $0x1  }
0x13: {  	[smem:$0x3FAF] =	sst s0;
	s0 =	simm.s32 @!p1 $0x0  }
0x14: {  	s2 =	sld [smem:$0x3F93];
	s0 =	simm.s32 @p1 $0x1  }
0x15: {  	[smem:$0x3FB0] =	sst s0;
	s0 =	simm.s32 @!p2 $0x0  }
0x16: {  	s3 =	sld [smem:$0x3FDB];
	s0 =	simm.s32 @p2 $0x1  }
0x17: {  	s4 =	simm.s32 $0x1BF5;
	[smem:$0x3FB2] =	sst s0  }
0x18: {  	s0 =	sld [smem:$0x3F95];
	_ =	swait.ge [sflag:s4], $0x0  }
0x19: {  	s7 =	sld [smem:$0x3F96]  }
0x1a: {  	s8 =	sadd.s32 $0xFFFFE003, lr  }
0x1b: {  	s9 =	sadd.s32 $0xFFFFFEF7, lr;
	s5 =	simm.s32 $0xFFFFFFFF;
	p2 =	slt.u32 s8, $0xFFFFF086  }
0x1c: {  	p1 =	slt.u32 s9, $0xF7A;
	s5 =	simm.s32 @!p2 $0x0  }
0x1d: {  	s5 =	simm.s32 @p1 $0x1;
	p0 =	seq.s32 s7, s2  }
0x1e: {  	s7 =	smul.u32 @!p0 $0xF7A, s2;
	p2 =	seq.s32 @!p0 s5, $0x0  }
0x1f: {  	s9 =	smul.u32 $0xF7A, s1;
	s8 =	simm.s32 @!p0 $0x1BF5;
	p2 =	por !p2, p0  }
0x20: {  	[sflag:s8] =	ssyncset.s32 @!p0 $0xFFFFF086;
	s6 =	sadd.s32 @!p0 s3, s7;
	s7 =	simm.s32 @!p0 $0x108  }
0x21: {  	s3 =	sadd.s32 s3, s9;
	s6 =	sadd.s32 @!p0 $0x88, s6;
	s7 =	simm.s32 @p2 $0x1082  }
0x22: {  	[simem:s7], [sflag:s8] =	dma.local @!p0 [hbm:s6], $0xF7A  }
0x23: {  	s9 =	sor.u32 $0xD0000000, s2;
	s6 =	simm.s32 $0x108;
	_ =	swait.ge @!p0 [sflag:s8], $0x0  }
0x24: {  	s3 =	sadd.s32 $0x88, s3;
	s6 =	simm.s32 @!p1 $0x1082;
	[sflag:s4] =	ssyncset.s32 $0xFFFFF086  }
0x25: {  	[simem:s6], [sflag:s4] =	dma.local [hbm:s3], $0xF7A  }
0x26: {  	[smem:$0x3F96] =	sst s1;
	(tag) =	ssettag s2;
	_ =	strace s9  }
0x27: {  	s1 =	sld [smem:$0x3FA6]  }
0x28: {  	s2 =	sld [smem:$0x3FA7]  }
0x29: {  	s4 =	sld [smem:$0x3FA9]  }
0x2a: {  	p0 =	seq.s32 s5, $0x0;
	s5 =	sld [smem:$0x3FAA]  }
0x2b: {  	s6 =	sld [smem:$0x3FAB]  }
0x2c: {  	s7 =	sld [smem:$0x3FAC]  }
0x2d: {  	s3 =	simm.s32 $0x108;
	s8 =	sld [smem:$0x3FAD]  }
0x2e: {  	s3 =	simm.s32 @!p0 $0x1082;
	s9 =	sld [smem:$0x3FAE]  }
0x2f: {  	lr =	sadd.s32 s0, s3;
	s0 =	sld [smem:$0x3FA5]  }
0x30: {  	s3 =	sld [smem:$0x3FA8]  }
0x31: {  	[smem:$0x3FB1] =	sst s10  }
0x32: {  	s10 =	sld [smem:$0x3FAF];
	_ =	sdelay $0x3  }
0x33: {  	p0 =	seq.s32 s10, $0x1;
	s10 =	sld [smem:$0x3FB1];
	_ =	sdelay $0x3  }
0x34: {  	[smem:$0x3FB1] =	sst s10  }
0x35: {  	s10 =	sld [smem:$0x3FB0];
	_ =	sdelay $0x3  }
0x36: {  	p1 =	seq.s32 s10, $0x1;
	s10 =	sld [smem:$0x3FB1];
	_ =	sdelay $0x3  }
0x37: {  	[smem:$0x3FB1] =	sst s10  }
0x38: {  	s10 =	sld [smem:$0x3FB2]  }
0x39: {  	_ = 	snop;
	(pc) =	sbr.ind lr, $3  }
0x3a: {  	_ = 	snop  }
0x3b: {  	_ = 	snop  }
0x3c: {  	p2 =	seq.s32 s10, $0x1;
	s10 =	sld [smem:$0x3FB1]  }
0x3d: {  	_ =	shalt  }
0x3e: {  	_ =	shalt  }
0x3f: {  	_ =	shalt  }
0x40: {  	_ =	shalt  }
0x41: {  	_ =	shalt  }
0x42: {  	_ =	shalt  }
0x43: {  	_ =	shalt  }
0x44: {  	_ =	shalt  }
0x45: {  	_ =	shalt  }
0x46: {  	_ =	shalt  }
0x47: {  	_ =	shalt  }
0x48: {  	_ =	shalt  }
0x49: {  	_ =	shalt  }
0x4a: {  	_ =	shalt  }
0x4b: {  	_ =	shalt  }
0x4c: {  	_ =	shalt  }
0x4d: {  	_ =	shalt  }
0x4e: {  	_ =	shalt  }
0x4f: {  	_ =	shalt  }
0x50: {  	_ =	shalt  }
0x51: {  	_ =	shalt  }
0x52: {  	_ =	shalt  }
0x53: {  	_ =	shalt  }
0x54: {  	_ =	shalt  }
0x55: {  	_ =	shalt  }
0x56: {  	_ =	shalt  }
0x57: {  	_ =	shalt  }
0x58: {  	_ =	shalt  }
0x59: {  	_ =	shalt  }
0x5a: {  	_ =	shalt  }
0x5b: {  	_ =	shalt  }
0x5c: {  	_ =	shalt  }
0x5d: {  	_ =	shalt  }
0x5e: {  	_ =	shalt  }
0x5f: {  	_ =	shalt  }
0x60: {  	_ =	shalt  }
0x61: {  	_ =	shalt  }
0x62: {  	_ =	shalt  }
0x63: {  	_ =	shalt  }
0x64: {  	_ =	shalt  }
0x65: {  	_ =	shalt  }
0x66: {  	_ =	shalt  }
0x67: {  	_ =	shalt  }
0x68: {  	_ =	shalt  }
0x69: {  	_ =	shalt  }
0x6a: {  	_ =	shalt  }
0x6b: {  	_ =	shalt  }
0x6c: {  	_ =	shalt  }
0x6d: {  	_ =	shalt  }
0x6e: {  	_ =	shalt  }
0x6f: {  	_ =	shalt  }
0x70: {  	_ =	shalt  }
0x71: {  	_ =	shalt  }
0x72: {  	_ =	shalt  }
0x73: {  	_ =	shalt  }
0x74: {  	_ =	shalt  }
0x75: {  	_ =	shalt  }
0x76: {  	_ =	shalt  }
0x77: {  	_ =	shalt  }
0x78: {  	_ =	shalt  }
0x79: {  	_ =	shalt  }
0x7a: {  	_ =	shalt  }
0x7b: {  	_ =	shalt  }
0x7c: {  	_ =	shalt  }
0x7d: {  	_ =	shalt  }
0x7e: {  	_ =	shalt  }
0x7f: {  	_ =	shalt  }
0x80: {  	_ =	shalt  }
0x81: {  	_ =	shalt  }
0x82: {  	_ =	shalt  }
0x83: {  	_ =	shalt  }
0x84: {  	_ =	shalt  }
0x85: {  	_ =	shalt  }
0x86: {  	_ =	shalt  }
0x87: {  	_ =	shalt  }
.Lfunc_end0:
.L_simem_size_0:
called_computation_lowered:
.L_overlay_start_0:
0x88: {  	s2 =	sld [smem:$0x3FD9]  }
0x89: {  	s3 =	sld [smem:$0x3FFE];
	_ =	sdelay $0x1  }
0x8a: {  	s1 =	srdreg.scid  }
0x8b: {  	s0 =	sand.u32 $0x1, s1  }
0x8c: {  	s17 =	sshll.u32 s0, $0xA;
	s2 =	sadd.s32 s3, s2  }
0x8d: {  	s2 =	sadd.s32 s2, s17  }
0x8e: {  	[smem:$0x3FBD] =	sst s2  }
0x8f: {  	_ = 	snop  }
0x90: {  	s2 =	sld [smem:$0x3FD0];
	(tm) =	ssettm $0x1  }
0x91: {  	s18 =	sld [smem:$0x3FFB];
	_ =	sdelay $0x3  }
0x92: {  	_ =	strace s18  }
0x93: {  	s3 =	sld [smem:$0x3FFC];
	_ =	sdelay $0x3  }
0x94: {  	_ =	strace s3  }
0x95: {  	s3 =	sld [smem:$0x3FFD];
	_ =	sdelay $0x3  }
0x96: {  	_ =	strace s3  }
0x97: {  	_ =	strace $0x8FFFFFFF  }
0x98: {  	s19 =	sld [smem:$0x3FDB];
	_ =	sdelay $0x1  }
0x99: {  	s4 =	simm.s32 $_scs_section_size  }
0x9a: {  	s5 =	simm.s32 $_size__tile_overlayer_lowered;
	s6 =	simm.s32 $_tile_overlayer_lowered  }
0x9b: {  	s22 =	simm.s32 $0x1BFF;
	s21 =	sshll.u32 s6, $0x1;
	s3 =	sadd.s32 s4, s19  }
0x9c: {  	s7 =	simm.s32 $0x0;
	s20 =	sshll.u32 s5, $0x1;
	s5 =	sadd.s32 s21, s3  }
0x9d: {  	[timem:s7], [sflag:s22] =	dma.local [hbm:s5], s20  }
0x9e: {  	_ =	swait.ge [sflag:s22], s20  }
0x9f: {  	s4 =	ssub.s32 $0x0, s20;
	[sflag:s22] =	ssyncset.done $0x0  }
0xa0: {  	[sflag:s22] =	ssyncadd.s32 s4;
	_ =	sdelay $0x1  }
0xa1: {  	s23 =	simm.s32 $0x1B8B  }
0xa2: {  	_ =	swait.ge [sflag:s23], $0x1  }
0xa3: {  	[sflag:s23] =	ssyncset.done $0x0  }
0xa4: {  	s25 =	simm.s32 $0x1B8E;
	s24 =	sld [smem:$0x3FFE];
	[sflag:s23] =	ssyncadd.s32 $0xFFFFFFFF  }
0xa5: {  	s26 =	simm.s32 $execute0_lowered;
	[smem:$0x3FD2] =	sst s25  }
0xa6: {  	s5 =	sshll.u32 s26, $0x1;
	_ =	strace $0x80000046;
	[dreg:$0x1] =	wrdreg $0xFFFFFFFF  }
0xa7: {  	s28 =	simm.s32 $_size_execute0_lowered;
	s3 =	sadd.s32 s3, s5;
	[dreg:$0x0] =	wrdreg $0x0  }
0xa8: {  	s5 =	sshll.u32 s28, $0x1;
	[dreg:$0x2] =	wrdreg s3  }
0xa9: {  	[dreg:$0x3] =	wrdreg s5  }
0xaa: {  	[dreg:$0x4] =	wrdreg $0xC0  }
0xab: {  	_ =	task [dreg:s7], $0x5FFFF  }
0xac: {  	[dreg:$0x1] =	wrdreg $0xFFFFFFFF  }
0xad: {  	[dreg:$0x0] =	wrdreg $0x60  }
0xae: {  	[dreg:$0x2] =	wrdreg s2  }
0xaf: {  	[dreg:$0x3] =	wrdreg s24  }
0xb0: {  	[dreg:$0x4] =	wrdreg $0x9  }
0xb1: {  	_ =	task.clear_ibuf [dreg:s7], $0x5FFFF;
	_ =	strace $0x90000046  }
0xb2: {  	s29 =	simm.s32 $0x9;
	_ =	strace $0x80000048  }
0xb3: {  	_ =	swait.ge [sflag:s29], $0x1  }
0xb4: {  	[sflag:s29] =	ssyncadd.s32 $0xFFFFFFFF  }
0xb5: {  	_ =	strace $0x90000048  }
0xb6: {  	_ =	sfence  }
0xb7: {  	s30 =	sld [smem:$0x0];
	_ =	sdelay $0x2  }
0xb8: {  	s31 =	sshll.u32 s1, $0xD;
	s1 =	sshrl.u32 s1, $0x2  }
0xb9: {  	s3 =	sand.u32 $0x4000, s31;
	s1 =	sadd.s32 s1, s30  }
0xba: {  	s0 =	sor.u32 s3, s0;
	s1 =	sshll.u32 s1, $0x11  }
0xbb: {  	s0 =	sor.u32 s1, s0  }
0xbc: {  	s0 =	sadd.s32 $0x8F2B, s0  }
0xbd: {  	[sflag:s0] =	ssyncadd.remote.s32 $0x1  }
0xbe: {  	_ =	sfence.sel $0xFFFF  }
0xbf: {  	[dreg:$0x0] =	wrdreg $0xFFFFFFFF;
	(pc) =	sbr.abs _section_cstart, $3  }
0xc0: {  	[dreg:$0x1] =	wrdreg $0xFFFFFFFF  }
0xc1: {  	_ =	task.clear_ibuf [dreg:s7], $0x2FFFF;
	_ =	strace $0x9FFFFFFF  }
0xc2: {  	(tm) =	ssettm $0x7FFFFFFF  }
0xc3: {  	_ =	shalt  }
tec
execute0_lowered:
.L_overlay_start_1:
0x0: {  	(tag) =	ssettag $0x1  }
0x1: {  	s1 =	rddreg [dreg:$0x0]  }
0x2: {  	s0 =	rddreg [dreg:$0x1];
	s3 =	simm.s32 $0x0;
	s2 =	srdreg.scid  }
0x3: {  	s7 =	stileid.u32;
	s9 =	simm.s32 $0x11;
	s10 =	simm.s32 $0x50  }
0x4: {  	s18 =	simm.s32 $0x200;
	s19 =	simm.s32 $0xD000;
	s20 =	simm.s32 $0x280  }
0x5: {  	s21 =	simm.s32 $0x17000;
	s22 =	simm.s32 $0xA;
	s23 =	simm.s32 $0xE  }
0x6: {  	s24 =	simm.s32 $0xB;
	s25 =	simm.s32 $0xF;
	s28 =	simm.s32 $0x10  }
0x7: {  	s29 =	simm.s32 $0x9;
	s30 =	simm.s32 $0xD;
	s31 =	simm.s32 $0x0  }
0x8: {  	[smem:$0x7FF] =	sst s3;
	s4 =	sadd.s32 $0x24000, s0;
	s2 =	sand.u32 $0x1, s2  }
0x9: {  	s5 =	sshll.u32 s7, $0xD;
	s7 =	smul.u32 $0x4E200, s7;
	_ =	strace $0x80000047  }
.Ltmp0:
0xa: {  	s6 =	sshll.u32 s2, $0xC;
	s8 =	ssub.s32 $0x2, s2;
	(pc) =	sbr.rel .LBB2_1-.Ltmp0, $4  }
0xb: {  	s2 =	smul.u32 $0x27100, s2;
	s5 =	sor.u32 s6, s5;
	s26 =	sshrl.u32 s8, $0x1  }
0xc: {  	s5 =	sadd.s32 s5, s0;
	s0 =	sadd.s32 s7, s0;
	s6 =	ssub.s32 s8, s26  }
0xd: {  	s26 =	simm.s32 $0xC;
	s5 =	sadd.s32 $0x4000, s5;
	s0 =	sadd.s32 s2, s0  }
0xe: {  	s6 =	smax.u32 s6, $0x1;
	s12 =	sadd.s32 $0x4B200, s0;
	s11 =	sadd.s32 $0x52D200, s0  }
.LBB2_7:
0xf: {  	_ =	swait.ge [sflag:s22], $0x2800  }
0x10: {  	[sflag:s22] =	ssyncset.done $0x0  }
0x11: {  	[sflag:s22] =	ssyncadd.s32 $0xFFFFD800  }
0x12: {  	_ =	swait.ge [sflag:s23], $0x2800  }
0x13: {  	[sflag:s23] =	ssyncset.done $0x0  }
0x14: {  	[sflag:s23] =	ssyncadd.s32 $0xFFFFD800  }
0x15: {  	_ =	swait.ge [sflag:s24], $0x2800  }
0x16: {  	[sflag:s24] =	ssyncset.done $0x0  }
0x17: {  	[sflag:s24] =	ssyncadd.s32 $0xFFFFD800  }
0x18: {  	_ =	swait.ge [sflag:s25], $0x2800  }
0x19: {  	[sflag:s25] =	ssyncset.done $0x0  }
0x1a: {  	[sflag:s25] =	ssyncadd.s32 $0xFFFFD800  }
0x1b: {  	_ =	swait.ge [sflag:s26], $0x2800  }
0x1c: {  	[sflag:s26] =	ssyncset.done $0x0  }
0x1d: {  	[sflag:s26] =	ssyncadd.s32 $0xFFFFD800  }
0x1e: {  	_ =	swait.ge [sflag:s28], $0x2800  }
0x1f: {  	[sflag:s28] =	ssyncset.done $0x0  }
0x20: {  	s31 =	sadd.s32 $0x1, s31;
	[sflag:s28] =	ssyncadd.s32 $0xFFFFD800  }
0x21: {  	p0 =	sne.s32 s31, s6;
	_ =	swait.ge [sflag:s29], $0x2800  }
.Ltmp1:
0x22: {  	[sflag:s29] =	ssyncset.done $0x0;
	(pc) =	sbr.rel @!p0 .LBB2_8-.Ltmp1, $4  }
0x23: {  	[sflag:s29] =	ssyncadd.s32 $0xFFFFD800  }
0x24: {  	_ =	swait.ge [sflag:s30], $0x2800  }
0x25: {  	[sflag:s30] =	ssyncset.done $0x0  }
0x26: {  	[sflag:s30] =	ssyncadd.s32 $0xFFFFD800  }
.LBB2_1:
0x27: {  	[tilespmem:s3], [sflag:$0x11] =	stream.linear.gather [hbm4b:s5+s3], $0x7D00, $0x38;
	[tilespmem:$0x1C000] =	vst v63  }
0x28: {  	_ =	swait.ge [sflag:s9], $0x7D00  }
0x29: {  	[sflag:s9] =	ssyncset.done $0x0  }
0x2a: {  	s0 =	simm.s32 $0x8000;
	[sflag:s9] =	ssyncadd.s32 $0xFFFF8300  }
0x2b: {  	[tilespmem:s0], [sflag:$0x1] =	stream.indirect.gather [hbm4b:s1+s10], $0x80, s3, s10, $0xb8;
	[tilespmem:$0x1C000] =	vst v63  }
0x2c: {  	s13 =	simm.s32 $0x80;
	s2 =	simm.s32 $0x12000  }
0x2d: {  	[tilespmem:s2], [sflag:$0x5] =	stream.indirect.gather [hbm4b:s4+s10], $0x80, s13, s10, $0xb8;
	[tilespmem:$0x1C000] =	vst v63  }
0x2e: {  	s14 =	simm.s32 $0x100;
	s15 =	simm.s32 $0xA800  }
0x2f: {  	[tilespmem:s15], [sflag:$0x2] =	stream.indirect.gather [hbm4b:s1+s10], $0x80, s14, s10, $0xb8;
	[tilespmem:$0x1C000] =	vst v63  }
0x30: {  	s16 =	simm.s32 $0x180;
	s17 =	simm.s32 $0x14800  }
0x31: {  	[tilespmem:s17], [sflag:$0x6] =	stream.indirect.gather [hbm4b:s4+s10], $0x80, s16, s10, $0xb8;
	[tilespmem:$0x1C000] =	vst v63  }
.Ltmp2:
0x32: {  	_ = 	snop;
	(pc) =	sbr.rel .LBB2_2-.Ltmp2, $4  }
0x33: {  	s8 =	smov.u32 s11  }
0x34: {  	[tilespmem:s19], [sflag:$0x3] =	stream.indirect.gather [hbm4b:s1+s10], $0x80, s18, s10, $0xb8;
	[tilespmem:$0x1C000] =	vst v63  }
0x35: {  	s7 =	smov.u32 s12;
	s0 =	simm.s32 $0x3;
	s2 =	simm.s32 $0x380  }
0x36: {  	[tilespmem:s21], [sflag:$0x7] =	stream.indirect.gather [hbm4b:s4+s10], $0x80, s20, s10, $0xb8;
	[tilespmem:$0x1C000] =	vst v63  }
.LBB2_3:
0x37: {  	s14 =	sadd.s32 $0x9, s13  }
0x38: {  	_ =	swait.ge [sflag:s14], $0x2800  }
0x39: {  	[sflag:s14] =	ssyncset.done $0x0  }
0x3a: {  	s17 =	sadd.s32 $0xD, s13;
	[sflag:s14] =	ssyncadd.s32 $0xFFFFD800  }
0x3b: {  	_ =	swait.ge [sflag:s17], $0x2800  }
0x3c: {  	[sflag:s17] =	ssyncset.done $0x0  }
0x3d: {  	[sflag:s17] =	ssyncadd.s32 $0xFFFFD800  }
.LBB2_5:
0x3e: {  	s14 =	smul.u32 $0x2800, s13;
	_ =	sdelay $0x1  }
0x3f: {  	s16 =	sadd.s32 $0xFFFFFF80, s2;
	s17 =	sadd.s32 $0x1, s13;
	s15 =	sor.u32 $0x8000, s14  }
0x40: {  	[tilespmem:s15], [sflag:s17] =	stream.indirect.gather [hbm4b:s1+s10], $0x80, s16, s10, $0xb8;
	[tilespmem:$0x1C000] =	vst v63  }
0x41: {  	s14 =	sadd.s32 $0x12000, s14;
	s17 =	sadd.s32 $0x5, s13  }
0x42: {  	[tilespmem:s14], [sflag:s17] =	stream.indirect.gather [hbm4b:s4+s10], $0x80, s2, s10, $0xb8;
	[tilespmem:$0x1C000] =	vst v63  }
.LBB2_6:
0x43: {  	s0 =	sadd.s32 $0x1, s0  }
0x44: {  	p0 =	sne.s32 s0, $0x80  }
.Ltmp3:
0x45: {  	_ = 	snop;
	(pc) =	sbr.rel @!p0 .LBB2_7-.Ltmp3, $2  }
0x46: {  	_ =	sdelay $0x2  }
0x47: {  	s2 =	sadd.s32 $0x100, s2;
	s7 =	sadd.s32 $0x500, s7;
	s8 =	sadd.s32 $0x500, s8  }
.LBB2_2:
0x48: {  	s14 =	sadd.s32 $0xFFFFFFFD, s0  }
0x49: {  	s13 =	sand.u32 $0x3, s14  }
0x4a: {  	s15 =	sadd.s32 $0x1, s13  }
0x4b: {  	_ =	swait.ge [sflag:s15], $0x2800  }
0x4c: {  	[sflag:s15] =	ssyncset.done $0x0  }
0x4d: {  	s17 =	sadd.s32 $0x5, s13;
	[sflag:s15] =	ssyncadd.s32 $0xFFFFD800  }
0x4e: {  	s16 =	smul.u32 $0x2800, s13;
	_ =	swait.ge [sflag:s17], $0x2800  }
0x4f: {  	[sflag:s17] =	ssyncset.done $0x0  }
0x50: {  	s15 =	sadd.s32 $0x9, s13;
	[sflag:s17] =	ssyncadd.s32 $0xFFFFD800;
	s17 =	sor.u32 $0x8000, s16  }
0x51: {  	[hbm4b:s7+s3] =	stream.linear.scatter [tilespmem:s17], [sflag:s15], $0x2800, $0x38;
	[tilespmem:$0x1C000] =	vst v63  }
0x52: {  	s17 =	sadd.s32 $0xFFFFFFFC, s0  }
0x53: {  	p0 =	sgt.u32 s17, $0x78  }
.Ltmp4:
0x54: {  	_ = 	snop;
	(pc) =	sbr.rel @!p0 .LBB2_3-.Ltmp4, $4  }
0x55: {  	_ = 	snop  }
0x56: {  	s13 =	sadd.s32 $0xD, s13;
	s16 =	sadd.s32 $0x12000, s16  }
0x57: {  	[hbm4b:s8+s3] =	stream.linear.scatter [tilespmem:s16], [sflag:s13], $0x2800, $0x38;
	[tilespmem:$0x1C000] =	vst v63  }
0x58: {  	s13 =	sand.u32 $0x3, s0  }
0x59: {  	p0 =	sgt.u32 s14, $0x79  }
.Ltmp5:
0x5a: {  	_ = 	snop;
	(pc) =	sbr.rel @p0 .LBB2_6-.Ltmp5, $4  }
.Ltmp6:
0x5b: {  	_ = 	snop;
	(pc) =	sbr.rel @!p0 .LBB2_5-.Ltmp6, $4  }
0x5c: {  	_ = 	snop  }
0x5d: {  	_ = 	snop  }
0x5e: {  	_ = 	snop  }
0x5f: {  	_ = 	snop  }
.LBB2_8:
0x60: {  	_ =	sfence.sel $0x180000  }
0x61: {  	[bflag:$0x0] =	sbarrier.arrive $0xFFFF  }
0x62: {  	_ =	strace $0x90000047  }
0x63: {  	s0 =	stileid.u32;
	[bflag:$0x2] =	sbarrier.arrive $0xFFFF  }
0x64: {  	p0 =	sne.s32 s0, $0x0;
	s0 =	rddreg [dreg:$0x2]  }
0x65: {  	s0 =	sadd.s32 @!p0 $0x100000, s0  }
0x66: {  	[sflag:s0] =	ssyncadd.tile.s32 @!p0 $0x1;
	_ =	shalt  }
.Lfunc_end2:
_tile_overlayer_lowered:
.L_overlay_start_2:
0x67: {  	(tag) =	ssettag $0x2  }
0x68: {  	s0 =	rddreg [dreg:$0x0];
	s2 =	stileid.u32  }
0x69: {  	s1 =	rddreg [dreg:$0x1];
	p0 =	sne.s32 s2, $0x0  }
0x6a: {  	s3 =	rddreg [dreg:$0x2];
	[bflag:$0x3] =	sbarrier.arrive $0xFFFF;
	s2 =	simm.s32 @!p0 $0x1C11  }
0x6b: {  	[timem:s3], [sflag:s2] =	dma.local @!p0 [hbm:s0], s1  }
0x6c: {  	s0 =	simm.s32 @!p0 $0x11  }
0x6d: {  	_ =	swait.ge @!p0 [sflag:s0], s1  }
0x6e: {  	s1 =	ssub.s32 @!p0 $0x0, s1;
	[sflag:s0] =	ssyncset.done @!p0 $0x0  }
0x6f: {  	[sflag:s0] =	ssyncadd.s32 @!p0 s1  }
0x70: {  	[bflag:$0x3] =	sbarrier.arrive $0xFFFF  }
0x71: {  	_ =	shalt  }

</sc_bundles>
